<compile_context>
chip_gen: v7x
topology: tpu7x:2x2x1
jax: 0.10.2.dev20260603
libtpu: 0.0.44.dev20260713+nightly
codegen_flags: <defaults>
</compile_context>

<pallas_src>
import functools

import jax
import jax.numpy as jnp
from jax import lax
from jax.experimental import pallas as pl
from jax.experimental.pallas import tpu as pltpu
from jax.experimental.pallas import tpu_sc as plsc

_N = 5000
_K = 200
_ROWS = 40
_NPAD = _ROWS * 128
_KROWS = 2
_KPAD = _KROWS * 128
_D = 8


def _nms_body(fields_ref, sc_ref, thr_ref, nmax_ref,
              chosen_ref, x1_ref, x3_ref, y1_ref, y3_ref, area_ref):
    thr = thr_ref[0]
    nmax = nmax_ref[0]

    def flat_iota():
        row = lax.broadcasted_iota(jnp.int32, (_ROWS, 128), 0)
        col = lax.broadcasted_iota(jnp.int32, (_ROWS, 128), 1)
        return row * 128 + col

    bx = fields_ref[0]
    bw = fields_ref[2]
    x1_ref[...] = bx - 0.5 * bw
    x3_ref[...] = bx + 0.5 * bw
    by = fields_ref[1]
    bh = fields_ref[3]
    y1_ref[...] = by - 0.5 * bh
    y3_ref[...] = by + 0.5 * bh
    area_ref[...] = bw * bh
    chosen_ref[...] = jnp.zeros((_KROWS, 128), jnp.int32)

    krow = lax.broadcasted_iota(jnp.int32, (_KROWS, 128), 0)
    kcol = lax.broadcasted_iota(jnp.int32, (_KROWS, 128), 1)
    kflat = krow * 128 + kcol
    big = jnp.float32(3.4e38)
    neg = jnp.float32(-3.4e38)

    def comb(a, b):
        better = (a[0] > b[0]) | ((a[0] == b[0]) & (a[1] < b[1]))
        return tuple(jnp.where(better, x, y) for x, y in zip(a, b))

    def select_one(k, M):
        gate = k < nmax
        flatf = flat_iota().astype(jnp.float32)
        fs = (M, flatf, fields_ref[0], fields_ref[1], fields_ref[2],
              fields_ref[3])
        t = tuple(x[0:8] for x in fs)
        for s in range(8, _ROWS, 8):
            t = comb(t, tuple(x[s:s + 8] for x in fs))
        for sh in (4, 2, 1):
            t = comb(t, tuple(pltpu.roll(x, sh, 0) for x in t))
        v1 = t[0][0:1]
        i1 = t[1][0:1]
        m = jnp.max(v1, axis=(0, 1), keepdims=True)
        sel1 = v1 == jnp.broadcast_to(m, (1, 128))
        idx = jnp.min(jnp.where(sel1, i1, big), axis=(0, 1),
                      keepdims=True)
        one1 = i1 == jnp.broadcast_to(idx, (1, 128))

        def extract(x1):
            g = jnp.max(jnp.where(one1, x1[0:1], neg), axis=(0, 1),
                        keepdims=True)
            return jnp.broadcast_to(g, (_ROWS, 128))

        cbx = extract(t[2])
        cby = extract(t[3])
        cbw = extract(t[4])
        cbh = extract(t[5])
        idxb = jnp.broadcast_to(idx, (_ROWS, 128))
        sel = flatf == idxb
        cx1 = cbx - 0.5 * cbw
        cx3 = cbx + 0.5 * cbw
        cy1 = cby - 0.5 * cbh
        cy3 = cby + 0.5 * cbh
        carea = cbw * cbh
        ix = jnp.maximum(jnp.minimum(x3_ref[...], cx3)
                         - jnp.maximum(x1_ref[...], cx1), 0.0)
        iy = jnp.maximum(jnp.minimum(y3_ref[...], cy3)
                         - jnp.maximum(y1_ref[...], cy1), 0.0)
        inter = ix * iy
        union = area_ref[...] + carea - inter
        iou = inter / jnp.maximum(union, 1e-8)
        new_M = jnp.where(((iou > thr) | sel) & gate, jnp.float32(-1e9), M)
        idxk = jnp.broadcast_to(idx.astype(jnp.int32), (_KROWS, 128))
        chosen_ref[...] = jnp.where((kflat == k) & gate, idxk,
                                    chosen_ref[...])
        return new_M

    def body(j, M):
        M = select_one(4 * j, M)
        M = select_one(4 * j + 1, M)
        M = select_one(4 * j + 2, M)
        M = select_one(4 * j + 3, M)
        return M

    M0 = jnp.where(flat_iota() < _N, sc_ref[...], jnp.float32(-1e9))
    lax.fori_loop(0, _K // 4, body, M0)


_nms_call = pl.pallas_call(
    _nms_body,
    out_shape=jax.ShapeDtypeStruct((_KROWS, 128), jnp.int32),
    in_specs=[
        pl.BlockSpec(memory_space=pltpu.VMEM),
        pl.BlockSpec(memory_space=pltpu.VMEM),
        pl.BlockSpec(memory_space=pltpu.SMEM),
        pl.BlockSpec(memory_space=pltpu.SMEM),
    ],
    out_specs=pl.BlockSpec(memory_space=pltpu.VMEM),
    scratch_shapes=[pltpu.VMEM((_ROWS, 128), jnp.float32)] * 5,
)


@functools.cache
def _make_sc_gather():
    info = plsc.get_sparse_core_info()
    nc, ns = info.num_cores, info.num_subcores
    nw = nc * ns
    b_per_w = _KPAD // nw
    mesh = plsc.VectorSubcoreMesh(core_axis_name="c", subcore_axis_name="s")

    @functools.partial(
        pl.kernel,
        mesh=mesh,
        compiler_params=pltpu.CompilerParams(use_tc_tiling_on_sc=False),
        out_type=jax.ShapeDtypeStruct((_KPAD, _D), jnp.float32),
        scratch_types=[
            pltpu.VMEM((b_per_w,), jnp.int32),
            pltpu.VMEM((b_per_w, _D), jnp.float32),
            pltpu.SemaphoreType.DMA,
        ],
    )
    def gather(table_hbm, idx_hbm, out_hbm, idx_v, rows_v, sem):
        wid = lax.axis_index("s") * nc + lax.axis_index("c")
        base = wid * b_per_w
        pltpu.sync_copy(idx_hbm.at[pl.ds(base, b_per_w)], idx_v)
        pltpu.async_copy(table_hbm.at[idx_v], rows_v, sem).wait()
        pltpu.sync_copy(rows_v, out_hbm.at[pl.ds(base, b_per_w)])

    return gather


def kernel(boxes, scores, overlap_threshold, n_objects_max, topk_only):
    thr = jnp.where(topk_only, jnp.float32(2.0),
                    jnp.asarray(overlap_threshold, jnp.float32))
    nmax = jnp.where(topk_only, jnp.int32(_K),
                     jnp.asarray(n_objects_max, jnp.int32))

    boxes_p = jnp.pad(boxes, ((0, _NPAD - _N), (0, 0)))
    fields = boxes_p.T.reshape(4, _ROWS, 128)
    scores_p = jnp.pad(scores, (0, _NPAD - _N)).reshape(_ROWS, 128)

    chosen2d = _nms_call(fields, scores_p,
                         thr.reshape(1), nmax.reshape(1))
    chosen_flat = chosen2d.reshape(_KPAD)

    table = jnp.pad(
        jnp.concatenate([scores[:, None], boxes], axis=1),
        ((0, 0), (0, _D - 5)))
    rows = _make_sc_gather()(table, chosen_flat)

    out = rows[:_K, :5]
    chosen = chosen_flat[:_K]
    return out, chosen

# --- scband reference (transcript-rebuilt; emitter-appended) ---
"""Pipeline reference for scband-inference-and-generation-85280870629440 (READ-ONLY COPY).

The authoritative reference and input builder live on the scoring server;
editing this copy changes nothing except your own understanding.
"""

import jax, jax.numpy as jnp
import numpy as np

N_BOXES = 5000
K_MAX = 200
IMG_SIZE = 512.0
SIZE_MIN = 16.0
SIZE_MAX = 64.0


def setup_inputs(seed: int = 0) -> dict:
    key = jax.random.key(seed)
    k1, k2, k3 = jax.random.split(key, 3)
    cxy = jax.random.uniform(k1, (N_BOXES, 2), minval=0.0, maxval=IMG_SIZE, dtype=jnp.float32)
    wh = jax.random.uniform(k2, (N_BOXES, 2), minval=SIZE_MIN, maxval=SIZE_MAX, dtype=jnp.float32)
    boxes = jnp.concatenate([cxy, wh], axis=1)  # [N, 4] = (bx, by, bw, bh) center format, as in tmaps_to_bb
    scores = jax.random.uniform(k3, (N_BOXES,), dtype=jnp.float32)  # c_map_before_nms + p_map flattened
    return {"boxes": boxes, "scores": scores, "overlap_threshold": 0.3, "n_objects_max": K_MAX, "topk_only": False}


def _iou_matrix(boxes):
    bx, by, bw, bh = boxes[:, 0], boxes[:, 1], boxes[:, 2], boxes[:, 3]
    x1 = bx - 0.5 * bw
    x3 = bx + 0.5 * bw
    y1 = by - 0.5 * bh
    y3 = by + 0.5 * bh
    area = bw * bh
    xi1 = jnp.maximum(x1[:, None], x1[None, :])
    yi1 = jnp.maximum(y1[:, None], y1[None, :])
    xi3 = jnp.minimum(x3[:, None], x3[None, :])
    yi3 = jnp.minimum(y3[:, None], y3[None, :])
    inter = jnp.clip(xi3 - xi1, 0.0) * jnp.clip(yi3 - yi1, 0.0)
    union = area[:, None] + area[None, :] - inter
    return inter / jnp.clip(union, 1e-8)


def _nms_indices(boxes, scores, overlap_threshold, n_objects_max, topk_only):
    # Faithful to NonMaxSuppression.compute_mask_and_index: either plain top-k, or
    # greedy suppression using a binarized pairwise-overlap matrix.
    def _topk_branch(operands):
        boxes, scores, overlap_threshold, n_objects_max = operands
        _, chosen = jax.lax.top_k(scores, K_MAX)
        return chosen.astype(jnp.int32)

    def _greedy_branch(operands):
        boxes, scores, overlap_threshold, n_objects_max = operands
        iou = _iou_matrix(boxes)  # O(N^2) pairwise overlap -> compute-bound
        overlap_bin = (iou > overlap_threshold).astype(scores.dtype)

        def body(k, carry):
            possible, chosen = carry
            masked = scores * possible - (1.0 - possible) * 1e9
            idx = jnp.argmax(masked).astype(jnp.int32)
            chosen = chosen.at[k].set(idx)
            possible = possible * (1.0 - jnp.take(overlap_bin, idx, axis=0))
            possible = possible.at[idx].set(0.0)
            return possible, chosen

        possible0 = jnp.ones_like(scores)
        chosen0 = jnp.zeros((K_MAX,), dtype=jnp.int32)
        _, chosen = jax.lax.fori_loop(0, n_objects_max, body, (possible0, chosen0))
        return chosen

    return jax.lax.cond(
        topk_only,
        _topk_branch,
        _greedy_branch,
        (boxes, scores, overlap_threshold, n_objects_max),
    )


def reference(boxes, scores, overlap_threshold, n_objects_max, topk_only):
    chosen = _nms_indices(boxes, scores, overlap_threshold, n_objects_max, topk_only)
    # torch.gather of bounding_box_all.{bx,by,bw,bh} and c at index_top_k
    scores_few = jnp.take(scores, chosen)
    boxes_few = jnp.take(boxes, chosen, axis=0)
    out = jnp.concatenate([scores_few[:, None], boxes_few], axis=1)  # [K, 5]
    return out, chosen

if __name__ == "__main__":
    import jax
    _d = setup_inputs()
    print(jax.jit(kernel)(*tuple(_d.values())))

</pallas_src>

<mosaic_0001>
#map = affine_map<(d0, d1) -> (0, 0)>
#map1 = affine_map<(d0, d1) -> (0)>
module attributes {stable_mosaic.version = 14 : i64} {
  func.func @gather(%arg0: i32, %arg1: i32, %arg2: memref<5000x8xf32, #tpu.memory_space<hbm>>, %arg3: memref<256xi32, #tpu.memory_space<hbm>>, %arg4: memref<256x8xf32, #tpu.memory_space<hbm>>, %arg5: memref<8xi32, #tpu.memory_space<vmem>>, %arg6: memref<8x8xf32, #tpu.memory_space<vmem>>, %arg7: memref<!tpu.dma_semaphore, #tpu.memory_space<semaphore_mem>>) attributes {dimension_semantics = [#tpu.dimension_semantics<core_parallel>, #tpu.dimension_semantics<subcore_parallel>], iteration_bounds = array<i64: 2, 16>, scalar_prefetch = 0 : i64, scratch_operands = 3 : i64, tpu.core_type = #tpu.core_type<sc_vector_subcore>, window_params = [{transform_indices = #map}, {transform_indices = #map1}, {transform_indices = #map}]} {
    %mul3A = arith.constant 2 : i32
    %mul3A_0 = arith.muli %arg1, %mul3A : i32
    %add3A = arith.addi %mul3A_0, %arg0 : i32
    %mul3A_1 = arith.constant 8 : i32
    %mul3A_2 = arith.muli %add3A, %mul3A_1 : i32
    "tpu.region"() ({
      %run_scoped3A = tpu.sem_alloc : memref<!tpu.dma_semaphore, #tpu.memory_space<semaphore_mem>>
      %dma_start3A_7 = tpu.memref_slice %arg3[%mul3A_2] : memref<256xi32, #tpu.memory_space<hbm>> -> memref<8xi32, #tpu.memory_space<hbm>>
      %dma_start3A_8 = tpu.memref_slice %arg3[%mul3A_2] : memref<256xi32, #tpu.memory_space<hbm>> -> memref<8xi32, #tpu.memory_space<hbm>>
      tpu.enqueue_dma source(%dma_start3A_8 : memref<8xi32, #tpu.memory_space<hbm>>) target(%arg5 : memref<8xi32, #tpu.memory_space<vmem>>) target_semaphore(%run_scoped3A : memref<!tpu.dma_semaphore, #tpu.memory_space<semaphore_mem>>)
      %dma_wait3A_9 = tpu.memref_slice %arg3[%mul3A_2] : memref<256xi32, #tpu.memory_space<hbm>> -> memref<8xi32, #tpu.memory_space<hbm>>
      %dma_wait3A_10 = tpu.memref_slice %arg3[%mul3A_2] : memref<256xi32, #tpu.memory_space<hbm>> -> memref<8xi32, #tpu.memory_space<hbm>>
      tpu.wait_dma2 semaphore(%run_scoped3A : memref<!tpu.dma_semaphore, #tpu.memory_space<semaphore_mem>>) src(%dma_wait3A_10 : memref<8xi32, #tpu.memory_space<hbm>>) dst(%arg5 : memref<8xi32, #tpu.memory_space<vmem>>)
      tpu.yield
    }) : () -> ()
    %dma_start3A = arith.constant 0 : i32
    %dma_start3A_3 = arith.constant 0 : i32
    %dma_start3A_4 = tpu.memref_slice %arg2[%dma_start3A, %dma_start3A_3] : memref<5000x8xf32, #tpu.memory_space<hbm>> -> memref<5000x8xf32, #tpu.memory_space<hbm>>
    tpu.enqueue_indirect_dma source(%dma_start3A_4 : memref<5000x8xf32, #tpu.memory_space<hbm>>) target(%arg6 : memref<8x8xf32, #tpu.memory_space<vmem>>) offsets(%arg5 : memref<8xi32, #tpu.memory_space<vmem>>) semaphore(%arg7 : memref<!tpu.dma_semaphore, #tpu.memory_space<semaphore_mem>>)
    %dma_wait3A = arith.constant 0 : i32
    %dma_wait3A_5 = arith.constant 0 : i32
    %dma_wait3A_6 = tpu.memref_slice %arg2[%dma_wait3A, %dma_wait3A_5] : memref<5000x8xf32, #tpu.memory_space<hbm>> -> memref<5000x8xf32, #tpu.memory_space<hbm>>
    tpu.wait_indirect_dma semaphore(%arg7 : memref<!tpu.dma_semaphore, #tpu.memory_space<semaphore_mem>>) src(%dma_wait3A_6 : memref<5000x8xf32, #tpu.memory_space<hbm>>) dst(%arg6 : memref<8x8xf32, #tpu.memory_space<vmem>>)
    "tpu.region"() ({
      %run_scoped3A = tpu.sem_alloc : memref<!tpu.dma_semaphore, #tpu.memory_space<semaphore_mem>>
      %dma_start3A_7 = arith.constant 0 : i32
      %dma_start3A_8 = tpu.memref_slice %arg4[%mul3A_2, %dma_start3A_7] : memref<256x8xf32, #tpu.memory_space<hbm>> -> memref<8x8xf32, #tpu.memory_space<hbm>>
      %dma_start3A_9 = arith.constant 0 : i32
      %dma_start3A_10 = tpu.memref_slice %arg4[%mul3A_2, %dma_start3A_9] : memref<256x8xf32, #tpu.memory_space<hbm>> -> memref<8x8xf32, #tpu.memory_space<hbm>>
      tpu.enqueue_dma source(%arg6 : memref<8x8xf32, #tpu.memory_space<vmem>>) target(%dma_start3A_10 : memref<8x8xf32, #tpu.memory_space<hbm>>) target_semaphore(%run_scoped3A : memref<!tpu.dma_semaphore, #tpu.memory_space<semaphore_mem>>)
      %dma_wait3A_11 = arith.constant 0 : i32
      %dma_wait3A_12 = tpu.memref_slice %arg4[%mul3A_2, %dma_wait3A_11] : memref<256x8xf32, #tpu.memory_space<hbm>> -> memref<8x8xf32, #tpu.memory_space<hbm>>
      %dma_wait3A_13 = arith.constant 0 : i32
      %dma_wait3A_14 = tpu.memref_slice %arg4[%mul3A_2, %dma_wait3A_13] : memref<256x8xf32, #tpu.memory_space<hbm>> -> memref<8x8xf32, #tpu.memory_space<hbm>>
      tpu.wait_dma2 semaphore(%run_scoped3A : memref<!tpu.dma_semaphore, #tpu.memory_space<semaphore_mem>>) src(%arg6 : memref<8x8xf32, #tpu.memory_space<vmem>>) dst(%dma_wait3A_14 : memref<8x8xf32, #tpu.memory_space<hbm>>)
      tpu.yield
    }) : () -> ()
    return
  }
}

module attributes {stable_mosaic.version = 14 : i64} {
  func.func @_nms_body(%arg0: memref<4x40x128xf32, #tpu.memory_space<vmem>>, %arg1: memref<40x128xf32, #tpu.memory_space<vmem>>, %arg2: memref<1xf32, #tpu.memory_space<smem>>, %arg3: memref<1xi32, #tpu.memory_space<smem>>, %arg4: memref<2x128xi32, #tpu.memory_space<vmem>>, %arg5: memref<40x128xf32, #tpu.memory_space<vmem>>, %arg6: memref<40x128xf32, #tpu.memory_space<vmem>>, %arg7: memref<40x128xf32, #tpu.memory_space<vmem>>, %arg8: memref<40x128xf32, #tpu.memory_space<vmem>>, %arg9: memref<40x128xf32, #tpu.memory_space<vmem>>) attributes {dimension_semantics = [], scalar_prefetch = 0 : i64, scratch_operands = 5 : i64, tpu.core_type = #tpu.core_type<tc>} {
    %get3A = arith.constant 0 : index
    %get3A_0 = memref.load %arg2[%get3A] : memref<1xf32, #tpu.memory_space<smem>>
    %get3A_1 = arith.constant 0 : index
    %get3A_2 = memref.load %arg3[%get3A_1] : memref<1xi32, #tpu.memory_space<smem>>
    %get3A_3 = arith.constant 0 : index
    %get3A_4 = arith.constant 0 : index
    %get3A_5 = arith.constant 0 : index
    %get3A_6 = vector.load %arg0[%get3A_3, %get3A_4, %get3A_5] : memref<4x40x128xf32, #tpu.memory_space<vmem>>, vector<1x40x128xf32>
    %get3A_7 = vector.shape_cast %get3A_6 : vector<1x40x128xf32> to vector<40x128xf32>
    %get3A_8 = arith.constant 2 : index
    %get3A_9 = arith.constant 0 : index
    %get3A_10 = arith.constant 0 : index
    %get3A_11 = vector.load %arg0[%get3A_8, %get3A_9, %get3A_10] : memref<4x40x128xf32, #tpu.memory_space<vmem>>, vector<1x40x128xf32>
    %get3A_12 = vector.shape_cast %get3A_11 : vector<1x40x128xf32> to vector<40x128xf32>
    %mul3A = arith.constant 5.000000e-01 : f32
    %mul3A_13 = vector.broadcast %mul3A : f32 to vector<40x128xf32>
    %mul3A_14 = arith.mulf %mul3A_13, %get3A_12 : vector<40x128xf32>
    %sub3A = arith.subf %get3A_7, %mul3A_14 : vector<40x128xf32>
    %swap3A = arith.constant 0 : index
    %swap3A_15 = arith.constant 0 : index
    %swap3A_16 = vector.load %arg5[%swap3A, %swap3A_15] : memref<40x128xf32, #tpu.memory_space<vmem>>, vector<40x128xf32>
    tpu.vector_store %arg5[%swap3A, %swap3A_15], %sub3A {strides = array<i32>} : memref<40x128xf32, #tpu.memory_space<vmem>>, vector<40x128xf32>,
    %mul3A_17 = arith.constant 5.000000e-01 : f32
    %mul3A_18 = vector.broadcast %mul3A_17 : f32 to vector<40x128xf32>
    %mul3A_19 = arith.mulf %mul3A_18, %get3A_12 : vector<40x128xf32>
    %add3A = arith.addf %get3A_7, %mul3A_19 : vector<40x128xf32>
    %swap3A_20 = arith.constant 0 : index
    %swap3A_21 = arith.constant 0 : index
    %swap3A_22 = vector.load %arg6[%swap3A_20, %swap3A_21] : memref<40x128xf32, #tpu.memory_space<vmem>>, vector<40x128xf32>
    tpu.vector_store %arg6[%swap3A_20, %swap3A_21], %add3A {strides = array<i32>} : memref<40x128xf32, #tpu.memory_space<vmem>>, vector<40x128xf32>,
    %get3A_23 = arith.constant 1 : index
    %get3A_24 = arith.constant 0 : index
    %get3A_25 = arith.constant 0 : index
    %get3A_26 = vector.load %arg0[%get3A_23, %get3A_24, %get3A_25] : memref<4x40x128xf32, #tpu.memory_space<vmem>>, vector<1x40x128xf32>
    %get3A_27 = vector.shape_cast %get3A_26 : vector<1x40x128xf32> to vector<40x128xf32>
    %get3A_28 = arith.constant 3 : index
    %get3A_29 = arith.constant 0 : index
    %get3A_30 = arith.constant 0 : index
    %get3A_31 = vector.load %arg0[%get3A_28, %get3A_29, %get3A_30] : memref<4x40x128xf32, #tpu.memory_space<vmem>>, vector<1x40x128xf32>
    %get3A_32 = vector.shape_cast %get3A_31 : vector<1x40x128xf32> to vector<40x128xf32>
    %mul3A_33 = arith.constant 5.000000e-01 : f32
    %mul3A_34 = vector.broadcast %mul3A_33 : f32 to vector<40x128xf32>
    %mul3A_35 = arith.mulf %mul3A_34, %get3A_32 : vector<40x128xf32>
    %sub3A_36 = arith.subf %get3A_27, %mul3A_35 : vector<40x128xf32>
    %swap3A_37 = arith.constant 0 : index
    %swap3A_38 = arith.constant 0 : index
    %swap3A_39 = vector.load %arg7[%swap3A_37, %swap3A_38] : memref<40x128xf32, #tpu.memory_space<vmem>>, vector<40x128xf32>
    tpu.vector_store %arg7[%swap3A_37, %swap3A_38], %sub3A_36 {strides = array<i32>} : memref<40x128xf32, #tpu.memory_space<vmem>>, vector<40x128xf32>,
    %mul3A_40 = arith.constant 5.000000e-01 : f32
    %mul3A_41 = vector.broadcast %mul3A_40 : f32 to vector<40x128xf32>
    %mul3A_42 = arith.mulf %mul3A_41, %get3A_32 : vector<40x128xf32>
    %add3A_43 = arith.addf %get3A_27, %mul3A_42 : vector<40x128xf32>
    %swap3A_44 = arith.constant 0 : index
    %swap3A_45 = arith.constant 0 : index
    %swap3A_46 = vector.load %arg8[%swap3A_44, %swap3A_45] : memref<40x128xf32, #tpu.memory_space<vmem>>, vector<40x128xf32>
    tpu.vector_store %arg8[%swap3A_44, %swap3A_45], %add3A_43 {strides = array<i32>} : memref<40x128xf32, #tpu.memory_space<vmem>>, vector<40x128xf32>,
    %mul3A_47 = arith.mulf %get3A_12, %get3A_32 : vector<40x128xf32>
    %swap3A_48 = arith.constant 0 : index
    %swap3A_49 = arith.constant 0 : index
    %swap3A_50 = vector.load %arg9[%swap3A_48, %swap3A_49] : memref<40x128xf32, #tpu.memory_space<vmem>>, vector<40x128xf32>
    tpu.vector_store %arg9[%swap3A_48, %swap3A_49], %mul3A_47 {strides = array<i32>} : memref<40x128xf32, #tpu.memory_space<vmem>>, vector<40x128xf32>,
    %broadcast_in_dim3A = arith.constant 0 : i32
    %broadcast_in_dim3A_51 = vector.broadcast %broadcast_in_dim3A : i32 to vector<2x128xi32>
    %swap3A_52 = arith.constant 0 : index
    %swap3A_53 = arith.constant 0 : index
    %swap3A_54 = vector.load %arg4[%swap3A_52, %swap3A_53] : memref<2x128xi32, #tpu.memory_space<vmem>>, vector<2x128xi32>
    tpu.vector_store %arg4[%swap3A_52, %swap3A_53], %broadcast_in_dim3A_51 {strides = array<i32>} : memref<2x128xi32, #tpu.memory_space<vmem>>, vector<2x128xi32>,
    %iota3A = tpu.iota {dimensions = array<i32: 0>} : vector<2x128xi32>
    %iota3A_55 = tpu.iota {dimensions = array<i32: 1>} : vector<2x128xi32>
    %mul3A_56 = arith.constant 128 : i32
    %mul3A_57 = vector.broadcast %mul3A_56 : i32 to vector<2x128xi32>
    %mul3A_58 = arith.muli %iota3A, %mul3A_57 : vector<2x128xi32>
    %add3A_59 = arith.addi %mul3A_58, %iota3A_55 : vector<2x128xi32>
    %iota3A_60 = tpu.iota {dimensions = array<i32: 0>} : vector<40x128xi32>
    %iota3A_61 = tpu.iota {dimensions = array<i32: 1>} : vector<40x128xi32>
    %mul3A_62 = arith.constant 128 : i32
    %mul3A_63 = vector.broadcast %mul3A_62 : i32 to vector<40x128xi32>
    %mul3A_64 = arith.muli %iota3A_60, %mul3A_63 : vector<40x128xi32>
    %add3A_65 = arith.addi %mul3A_64, %iota3A_61 : vector<40x128xi32>
    %lt3A = arith.constant 5000 : i32
    %lt3A_66 = vector.broadcast %lt3A : i32 to vector<40x128xi32>
    %lt3A_67 = arith.cmpi slt, %add3A_65, %lt3A_66 : vector<40x128xi32>
    %get3A_68 = arith.constant 0 : index
    %get3A_69 = arith.constant 0 : index
    %get3A_70 = vector.load %arg1[%get3A_68, %get3A_69] : memref<40x128xf32, #tpu.memory_space<vmem>>, vector<40x128xf32>
    %jit3A = arith.constant -1.000000e+09 : f32
    %broadcast_in_dim3A_71 = vector.broadcast %jit3A : f32 to vector<40x128xf32>
    %select_n3A = arith.select %lt3A_67, %get3A_70, %broadcast_in_dim3A_71 : vector<40x128xi1>, vector<40x128xf32>
    %scan3A = arith.constant 3.400000e+38 : f32
    %scan3A_72 = arith.constant -3.400000e+38 : f32
    %scan3A_73 = arith.constant 0 : i32
    %scan3A_74 = arith.constant 50 : i32
    %scan3A_75 = arith.addi %scan3A_73, %scan3A_74 : i32
    %scan3A_76 = arith.constant 1 : i32
    %scan3A_77 = scf.for %scan3A_79 = %scan3A_73 to %scan3A_75 step %scan3A_76 iter_args(%scan3A_80 = %select_n3A) -> (vector<40x128xf32>)  : i32 {
      %mul3A_81 = arith.constant 4 : i32
      %mul3A_82 = arith.muli %mul3A_81, %scan3A_79 : i32
      %lt3A_83 = arith.cmpi slt, %mul3A_82, %get3A_2 : i32
      %iota3A_84 = tpu.iota {dimensions = array<i32: 0>} : vector<40x128xi32>
      %iota3A_85 = tpu.iota {dimensions = array<i32: 1>} : vector<40x128xi32>
      %mul3A_86 = arith.constant 128 : i32
      %mul3A_87 = vector.broadcast %mul3A_86 : i32 to vector<40x128xi32>
      %mul3A_88 = arith.muli %iota3A_84, %mul3A_87 : vector<40x128xi32>
      %add3A_89 = arith.addi %mul3A_88, %iota3A_85 : vector<40x128xi32>
      %convert_element_type3A = arith.sitofp %add3A_89 : vector<40x128xi32> to vector<40x128xf32>
      %get3A_90 = arith.constant 0 : index
      %get3A_91 = arith.constant 0 : index
      %get3A_92 = arith.constant 0 : index
      %get3A_93 = vector.load %arg0[%get3A_90, %get3A_91, %get3A_92] : memref<4x40x128xf32, #tpu.memory_space<vmem>>, vector<1x40x128xf32>
      %get3A_94 = vector.shape_cast %get3A_93 : vector<1x40x128xf32> to vector<40x128xf32>
      %get3A_95 = arith.constant 1 : index
      %get3A_96 = arith.constant 0 : index
      %get3A_97 = arith.constant 0 : index
      %get3A_98 = vector.load %arg0[%get3A_95, %get3A_96, %get3A_97] : memref<4x40x128xf32, #tpu.memory_space<vmem>>, vector<1x40x128xf32>
      %get3A_99 = vector.shape_cast %get3A_98 : vector<1x40x128xf32> to vector<40x128xf32>
      %get3A_100 = arith.constant 2 : index
      %get3A_101 = arith.constant 0 : index
      %get3A_102 = arith.constant 0 : index
      %get3A_103 = vector.load %arg0[%get3A_100, %get3A_101, %get3A_102] : memref<4x40x128xf32, #tpu.memory_space<vmem>>, vector<1x40x128xf32>
      %get3A_104 = vector.shape_cast %get3A_103 : vector<1x40x128xf32> to vector<40x128xf32>
      %get3A_105 = arith.constant 3 : index
      %get3A_106 = arith.constant 0 : index
      %get3A_107 = arith.constant 0 : index
      %get3A_108 = vector.load %arg0[%get3A_105, %get3A_106, %get3A_107] : memref<4x40x128xf32, #tpu.memory_space<vmem>>, vector<1x40x128xf32>
      %get3A_109 = vector.shape_cast %get3A_108 : vector<1x40x128xf32> to vector<40x128xf32>
      %slice3A = vector.extract_strided_slice %scan3A_80 {offsets = [0, 0], sizes = [8, 128], strides = [1, 1]} : vector<40x128xf32> to vector<8x128xf32>
      %slice3A_110 = vector.extract_strided_slice %convert_element_type3A {offsets = [0, 0], sizes = [8, 128], strides = [1, 1]} : vector<40x128xf32> to vector<8x128xf32>
      %slice3A_111 = vector.extract_strided_slice %get3A_94 {offsets = [0, 0], sizes = [8, 128], strides = [1, 1]} : vector<40x128xf32> to vector<8x128xf32>
      %slice3A_112 = vector.extract_strided_slice %get3A_99 {offsets = [0, 0], sizes = [8, 128], strides = [1, 1]} : vector<40x128xf32> to vector<8x128xf32>
      %slice3A_113 = vector.extract_strided_slice %get3A_104 {offsets = [0, 0], sizes = [8, 128], strides = [1, 1]} : vector<40x128xf32> to vector<8x128xf32>
      %slice3A_114 = vector.extract_strided_slice %get3A_109 {offsets = [0, 0], sizes = [8, 128], strides = [1, 1]} : vector<40x128xf32> to vector<8x128xf32>
      %slice3A_115 = vector.extract_strided_slice %scan3A_80 {offsets = [8, 0], sizes = [8, 128], strides = [1, 1]} : vector<40x128xf32> to vector<8x128xf32>
      %slice3A_116 = vector.extract_strided_slice %convert_element_type3A {offsets = [8, 0], sizes = [8, 128], strides = [1, 1]} : vector<40x128xf32> to vector<8x128xf32>
      %slice3A_117 = vector.extract_strided_slice %get3A_94 {offsets = [8, 0], sizes = [8, 128], strides = [1, 1]} : vector<40x128xf32> to vector<8x128xf32>
      %slice3A_118 = vector.extract_strided_slice %get3A_99 {offsets = [8, 0], sizes = [8, 128], strides = [1, 1]} : vector<40x128xf32> to vector<8x128xf32>
      %slice3A_119 = vector.extract_strided_slice %get3A_104 {offsets = [8, 0], sizes = [8, 128], strides = [1, 1]} : vector<40x128xf32> to vector<8x128xf32>
      %slice3A_120 = vector.extract_strided_slice %get3A_109 {offsets = [8, 0], sizes = [8, 128], strides = [1, 1]} : vector<40x128xf32> to vector<8x128xf32>
      %gt3A = arith.cmpf ogt, %slice3A, %slice3A_115 : vector<8x128xf32>
      %eq3A = arith.cmpf oeq, %slice3A, %slice3A_115 : vector<8x128xf32>
      %lt3A_121 = arith.cmpf olt, %slice3A_110, %slice3A_116 : vector<8x128xf32>
      %and3A = arith.andi %eq3A, %lt3A_121 : vector<8x128xi1>
      %or3A = arith.ori %gt3A, %and3A : vector<8x128xi1>
      %select_n3A_122 = arith.select %or3A, %slice3A, %slice3A_115 : vector<8x128xi1>, vector<8x128xf32>
      %select_n3A_123 = arith.select %or3A, %slice3A_110, %slice3A_116 : vector<8x128xi1>, vector<8x128xf32>
      %select_n3A_124 = arith.select %or3A, %slice3A_111, %slice3A_117 : vector<8x128xi1>, vector<8x128xf32>
      %select_n3A_125 = arith.select %or3A, %slice3A_112, %slice3A_118 : vector<8x128xi1>, vector<8x128xf32>
      %select_n3A_126 = arith.select %or3A, %slice3A_113, %slice3A_119 : vector<8x128xi1>, vector<8x128xf32>
      %select_n3A_127 = arith.select %or3A, %slice3A_114, %slice3A_120 : vector<8x128xi1>, vector<8x128xf32>
      %slice3A_128 = vector.extract_strided_slice %scan3A_80 {offsets = [16, 0], sizes = [8, 128], strides = [1, 1]} : vector<40x128xf32> to vector<8x128xf32>
      %slice3A_129 = vector.extract_strided_slice %convert_element_type3A {offsets = [16, 0], sizes = [8, 128], strides = [1, 1]} : vector<40x128xf32> to vector<8x128xf32>
      %slice3A_130 = vector.extract_strided_slice %get3A_94 {offsets = [16, 0], sizes = [8, 128], strides = [1, 1]} : vector<40x128xf32> to vector<8x128xf32>
      %slice3A_131 = vector.extract_strided_slice %get3A_99 {offsets = [16, 0], sizes = [8, 128], strides = [1, 1]} : vector<40x128xf32> to vector<8x128xf32>
      %slice3A_132 = vector.extract_strided_slice %get3A_104 {offsets = [16, 0], sizes = [8, 128], strides = [1, 1]} : vector<40x128xf32> to vector<8x128xf32>
      %slice3A_133 = vector.extract_strided_slice %get3A_109 {offsets = [16, 0], sizes = [8, 128], strides = [1, 1]} : vector<40x128xf32> to vector<8x128xf32>
      %gt3A_134 = arith.cmpf ogt, %select_n3A_122, %slice3A_128 : vector<8x128xf32>
      %eq3A_135 = arith.cmpf oeq, %select_n3A_122, %slice3A_128 : vector<8x128xf32>
      %lt3A_136 = arith.cmpf olt, %select_n3A_123, %slice3A_129 : vector<8x128xf32>
      %and3A_137 = arith.andi %eq3A_135, %lt3A_136 : vector<8x128xi1>
      %or3A_138 = arith.ori %gt3A_134, %and3A_137 : vector<8x128xi1>
      %select_n3A_139 = arith.select %or3A_138, %select_n3A_122, %slice3A_128 : vector<8x128xi1>, vector<8x128xf32>
      %select_n3A_140 = arith.select %or3A_138, %select_n3A_123, %slice3A_129 : vector<8x128xi1>, vector<8x128xf32>
      %select_n3A_141 = arith.select %or3A_138, %select_n3A_124, %slice3A_130 : vector<8x128xi1>, vector<8x128xf32>
      %select_n3A_142 = arith.select %or3A_138, %select_n3A_125, %slice3A_131 : vector<8x128xi1>, vector<8x128xf32>
      %select_n3A_143 = arith.select %or3A_138, %select_n3A_126, %slice3A_132 : vector<8x128xi1>, vector<8x128xf32>
      %select_n3A_144 = arith.select %or3A_138, %select_n3A_127, %slice3A_133 : vector<8x128xi1>, vector<8x128xf32>
      %slice3A_145 = vector.extract_strided_slice %scan3A_80 {offsets = [24, 0], sizes = [8, 128], strides = [1, 1]} : vector<40x128xf32> to vector<8x128xf32>
      %slice3A_146 = vector.extract_strided_slice %convert_element_type3A {offsets = [24, 0], sizes = [8, 128], strides = [1, 1]} : vector<40x128xf32> to vector<8x128xf32>
      %slice3A_147 = vector.extract_strided_slice %get3A_94 {offsets = [24, 0], sizes = [8, 128], strides = [1, 1]} : vector<40x128xf32> to vector<8x128xf32>
      %slice3A_148 = vector.extract_strided_slice %get3A_99 {offsets = [24, 0], sizes = [8, 128], strides = [1, 1]} : vector<40x128xf32> to vector<8x128xf32>
      %slice3A_149 = vector.extract_strided_slice %get3A_104 {offsets = [24, 0], sizes = [8, 128], strides = [1, 1]} : vector<40x128xf32> to vector<8x128xf32>
      %slice3A_150 = vector.extract_strided_slice %get3A_109 {offsets = [24, 0], sizes = [8, 128], strides = [1, 1]} : vector<40x128xf32> to vector<8x128xf32>
      %gt3A_151 = arith.cmpf ogt, %select_n3A_139, %slice3A_145 : vector<8x128xf32>
      %eq3A_152 = arith.cmpf oeq, %select_n3A_139, %slice3A_145 : vector<8x128xf32>
      %lt3A_153 = arith.cmpf olt, %select_n3A_140, %slice3A_146 : vector<8x128xf32>
      %and3A_154 = arith.andi %eq3A_152, %lt3A_153 : vector<8x128xi1>
      %or3A_155 = arith.ori %gt3A_151, %and3A_154 : vector<8x128xi1>
      %select_n3A_156 = arith.select %or3A_155, %select_n3A_139, %slice3A_145 : vector<8x128xi1>, vector<8x128xf32>
      %select_n3A_157 = arith.select %or3A_155, %select_n3A_140, %slice3A_146 : vector<8x128xi1>, vector<8x128xf32>
      %select_n3A_158 = arith.select %or3A_155, %select_n3A_141, %slice3A_147 : vector<8x128xi1>, vector<8x128xf32>
      %select_n3A_159 = arith.select %or3A_155, %select_n3A_142, %slice3A_148 : vector<8x128xi1>, vector<8x128xf32>
      %select_n3A_160 = arith.select %or3A_155, %select_n3A_143, %slice3A_149 : vector<8x128xi1>, vector<8x128xf32>
      %select_n3A_161 = arith.select %or3A_155, %select_n3A_144, %slice3A_150 : vector<8x128xi1>, vector<8x128xf32>
      %slice3A_162 = vector.extract_strided_slice %scan3A_80 {offsets = [32, 0], sizes = [8, 128], strides = [1, 1]} : vector<40x128xf32> to vector<8x128xf32>
      %slice3A_163 = vector.extract_strided_slice %convert_element_type3A {offsets = [32, 0], sizes = [8, 128], strides = [1, 1]} : vector<40x128xf32> to vector<8x128xf32>
      %slice3A_164 = vector.extract_strided_slice %get3A_94 {offsets = [32, 0], sizes = [8, 128], strides = [1, 1]} : vector<40x128xf32> to vector<8x128xf32>
      %slice3A_165 = vector.extract_strided_slice %get3A_99 {offsets = [32, 0], sizes = [8, 128], strides = [1, 1]} : vector<40x128xf32> to vector<8x128xf32>
      %slice3A_166 = vector.extract_strided_slice %get3A_104 {offsets = [32, 0], sizes = [8, 128], strides = [1, 1]} : vector<40x128xf32> to vector<8x128xf32>
      %slice3A_167 = vector.extract_strided_slice %get3A_109 {offsets = [32, 0], sizes = [8, 128], strides = [1, 1]} : vector<40x128xf32> to vector<8x128xf32>
      %gt3A_168 = arith.cmpf ogt, %select_n3A_156, %slice3A_162 : vector<8x128xf32>
      %eq3A_169 = arith.cmpf oeq, %select_n3A_156, %slice3A_162 : vector<8x128xf32>
      %lt3A_170 = arith.cmpf olt, %select_n3A_157, %slice3A_163 : vector<8x128xf32>
      %and3A_171 = arith.andi %eq3A_169, %lt3A_170 : vector<8x128xi1>
      %or3A_172 = arith.ori %gt3A_168, %and3A_171 : vector<8x128xi1>
      %select_n3A_173 = arith.select %or3A_172, %select_n3A_156, %slice3A_162 : vector<8x128xi1>, vector<8x128xf32>
      %select_n3A_174 = arith.select %or3A_172, %select_n3A_157, %slice3A_163 : vector<8x128xi1>, vector<8x128xf32>
      %select_n3A_175 = arith.select %or3A_172, %select_n3A_158, %slice3A_164 : vector<8x128xi1>, vector<8x128xf32>
      %select_n3A_176 = arith.select %or3A_172, %select_n3A_159, %slice3A_165 : vector<8x128xi1>, vector<8x128xf32>
      %select_n3A_177 = arith.select %or3A_172, %select_n3A_160, %slice3A_166 : vector<8x128xi1>, vector<8x128xf32>
      %select_n3A_178 = arith.select %or3A_172, %select_n3A_161, %slice3A_167 : vector<8x128xi1>, vector<8x128xf32>
      %roll3A = arith.constant 4 : i32
      %roll3A_179 = tpu.dynamic_rotate %select_n3A_173 by %roll3A dim 0 : vector<8x128xf32>, i32 -> vector<8x128xf32>
      %roll3A_180 = arith.constant 4 : i32
      %roll3A_181 = tpu.dynamic_rotate %select_n3A_174 by %roll3A_180 dim 0 : vector<8x128xf32>, i32 -> vector<8x128xf32>
      %roll3A_182 = arith.constant 4 : i32
      %roll3A_183 = tpu.dynamic_rotate %select_n3A_175 by %roll3A_182 dim 0 : vector<8x128xf32>, i32 -> vector<8x128xf32>
      %roll3A_184 = arith.constant 4 : i32
      %roll3A_185 = tpu.dynamic_rotate %select_n3A_176 by %roll3A_184 dim 0 : vector<8x128xf32>, i32 -> vector<8x128xf32>
      %roll3A_186 = arith.constant 4 : i32
      %roll3A_187 = tpu.dynamic_rotate %select_n3A_177 by %roll3A_186 dim 0 : vector<8x128xf32>, i32 -> vector<8x128xf32>
      %roll3A_188 = arith.constant 4 : i32
      %roll3A_189 = tpu.dynamic_rotate %select_n3A_178 by %roll3A_188 dim 0 : vector<8x128xf32>, i32 -> vector<8x128xf32>
      %gt3A_190 = arith.cmpf ogt, %select_n3A_173, %roll3A_179 : vector<8x128xf32>
      %eq3A_191 = arith.cmpf oeq, %select_n3A_173, %roll3A_179 : vector<8x128xf32>
      %lt3A_192 = arith.cmpf olt, %select_n3A_174, %roll3A_181 : vector<8x128xf32>
      %and3A_193 = arith.andi %eq3A_191, %lt3A_192 : vector<8x128xi1>
      %or3A_194 = arith.ori %gt3A_190, %and3A_193 : vector<8x128xi1>
      %select_n3A_195 = arith.select %or3A_194, %select_n3A_173, %roll3A_179 : vector<8x128xi1>, vector<8x128xf32>
      %select_n3A_196 = arith.select %or3A_194, %select_n3A_174, %roll3A_181 : vector<8x128xi1>, vector<8x128xf32>
      %select_n3A_197 = arith.select %or3A_194, %select_n3A_175, %roll3A_183 : vector<8x128xi1>, vector<8x128xf32>
      %select_n3A_198 = arith.select %or3A_194, %select_n3A_176, %roll3A_185 : vector<8x128xi1>, vector<8x128xf32>
      %select_n3A_199 = arith.select %or3A_194, %select_n3A_177, %roll3A_187 : vector<8x128xi1>, vector<8x128xf32>
      %select_n3A_200 = arith.select %or3A_194, %select_n3A_178, %roll3A_189 : vector<8x128xi1>, vector<8x128xf32>
      %roll3A_201 = arith.constant 2 : i32
      %roll3A_202 = tpu.dynamic_rotate %select_n3A_195 by %roll3A_201 dim 0 : vector<8x128xf32>, i32 -> vector<8x128xf32>
      %roll3A_203 = arith.constant 2 : i32
      %roll3A_204 = tpu.dynamic_rotate %select_n3A_196 by %roll3A_203 dim 0 : vector<8x128xf32>, i32 -> vector<8x128xf32>
      %roll3A_205 = arith.constant 2 : i32
      %roll3A_206 = tpu.dynamic_rotate %select_n3A_197 by %roll3A_205 dim 0 : vector<8x128xf32>, i32 -> vector<8x128xf32>
      %roll3A_207 = arith.constant 2 : i32
      %roll3A_208 = tpu.dynamic_rotate %select_n3A_198 by %roll3A_207 dim 0 : vector<8x128xf32>, i32 -> vector<8x128xf32>
      %roll3A_209 = arith.constant 2 : i32
      %roll3A_210 = tpu.dynamic_rotate %select_n3A_199 by %roll3A_209 dim 0 : vector<8x128xf32>, i32 -> vector<8x128xf32>
      %roll3A_211 = arith.constant 2 : i32
      %roll3A_212 = tpu.dynamic_rotate %select_n3A_200 by %roll3A_211 dim 0 : vector<8x128xf32>, i32 -> vector<8x128xf32>
      %gt3A_213 = arith.cmpf ogt, %select_n3A_195, %roll3A_202 : vector<8x128xf32>
      %eq3A_214 = arith.cmpf oeq, %select_n3A_195, %roll3A_202 : vector<8x128xf32>
      %lt3A_215 = arith.cmpf olt, %select_n3A_196, %roll3A_204 : vector<8x128xf32>
      %and3A_216 = arith.andi %eq3A_214, %lt3A_215 : vector<8x128xi1>
      %or3A_217 = arith.ori %gt3A_213, %and3A_216 : vector<8x128xi1>
      %select_n3A_218 = arith.select %or3A_217, %select_n3A_195, %roll3A_202 : vector<8x128xi1>, vector<8x128xf32>
      %select_n3A_219 = arith.select %or3A_217, %select_n3A_196, %roll3A_204 : vector<8x128xi1>, vector<8x128xf32>
      %select_n3A_220 = arith.select %or3A_217, %select_n3A_197, %roll3A_206 : vector<8x128xi1>, vector<8x128xf32>
      %select_n3A_221 = arith.select %or3A_217, %select_n3A_198, %roll3A_208 : vector<8x128xi1>, vector<8x128xf32>
      %select_n3A_222 = arith.select %or3A_217, %select_n3A_199, %roll3A_210 : vector<8x128xi1>, vector<8x128xf32>
      %select_n3A_223 = arith.select %or3A_217, %select_n3A_200, %roll3A_212 : vector<8x128xi1>, vector<8x128xf32>
      %roll3A_224 = arith.constant 1 : i32
      %roll3A_225 = tpu.dynamic_rotate %select_n3A_218 by %roll3A_224 dim 0 : vector<8x128xf32>, i32 -> vector<8x128xf32>
      %roll3A_226 = arith.constant 1 : i32
      %roll3A_227 = tpu.dynamic_rotate %select_n3A_219 by %roll3A_226 dim 0 : vector<8x128xf32>, i32 -> vector<8x128xf32>
      %roll3A_228 = arith.constant 1 : i32
      %roll3A_229 = tpu.dynamic_rotate %select_n3A_220 by %roll3A_228 dim 0 : vector<8x128xf32>, i32 -> vector<8x128xf32>
      %roll3A_230 = arith.constant 1 : i32
      %roll3A_231 = tpu.dynamic_rotate %select_n3A_221 by %roll3A_230 dim 0 : vector<8x128xf32>, i32 -> vector<8x128xf32>
      %roll3A_232 = arith.constant 1 : i32
      %roll3A_233 = tpu.dynamic_rotate %select_n3A_222 by %roll3A_232 dim 0 : vector<8x128xf32>, i32 -> vector<8x128xf32>
      %roll3A_234 = arith.constant 1 : i32
      %roll3A_235 = tpu.dynamic_rotate %select_n3A_223 by %roll3A_234 dim 0 : vector<8x128xf32>, i32 -> vector<8x128xf32>
      %gt3A_236 = arith.cmpf ogt, %select_n3A_218, %roll3A_225 : vector<8x128xf32>
      %eq3A_237 = arith.cmpf oeq, %select_n3A_218, %roll3A_225 : vector<8x128xf32>
      %lt3A_238 = arith.cmpf olt, %select_n3A_219, %roll3A_227 : vector<8x128xf32>
      %and3A_239 = arith.andi %eq3A_237, %lt3A_238 : vector<8x128xi1>
      %or3A_240 = arith.ori %gt3A_236, %and3A_239 : vector<8x128xi1>
      %select_n3A_241 = arith.select %or3A_240, %select_n3A_218, %roll3A_225 : vector<8x128xi1>, vector<8x128xf32>
      %select_n3A_242 = arith.select %or3A_240, %select_n3A_219, %roll3A_227 : vector<8x128xi1>, vector<8x128xf32>
      %select_n3A_243 = arith.select %or3A_240, %select_n3A_220, %roll3A_229 : vector<8x128xi1>, vector<8x128xf32>
      %select_n3A_244 = arith.select %or3A_240, %select_n3A_221, %roll3A_231 : vector<8x128xi1>, vector<8x128xf32>
      %select_n3A_245 = arith.select %or3A_240, %select_n3A_222, %roll3A_233 : vector<8x128xi1>, vector<8x128xf32>
      %select_n3A_246 = arith.select %or3A_240, %select_n3A_223, %roll3A_235 : vector<8x128xi1>, vector<8x128xf32>
      %slice3A_247 = vector.extract_strided_slice %select_n3A_241 {offsets = [0, 0], sizes = [1, 128], strides = [1, 1]} : vector<8x128xf32> to vector<1x128xf32>
      %slice3A_248 = vector.extract_strided_slice %select_n3A_242 {offsets = [0, 0], sizes = [1, 128], strides = [1, 1]} : vector<8x128xf32> to vector<1x128xf32>
      %reduce_max3A = vector.shape_cast %slice3A_247 : vector<1x128xf32> to vector<1x1x128xf32>
      %reduce_max3A_249 = arith.constant dense<0xFF800000> : vector<1xf32>
      %reduce_max3A_250 = vector.multi_reduction <maximumf>, %reduce_max3A, %reduce_max3A_249 [1, 2] : vector<1x1x128xf32> to vector<1xf32>
      %reduce_max3A_251 = vector.shape_cast %reduce_max3A_250 : vector<1xf32> to vector<1x1x1xf32>
      %reduce_max3A_252 = vector.extract %reduce_max3A_251[0, 0, 0] : f32 from vector<1x1x1xf32>
      %broadcast_in_dim3A_253 = vector.broadcast %reduce_max3A_252 : f32 to vector<1x1xf32>
      %broadcast_in_dim3A_254 = vector.shape_cast %broadcast_in_dim3A_253 : vector<1x1xf32> to vector<1x1xf32>
      %broadcast_in_dim3A_255 = vector.broadcast %broadcast_in_dim3A_254 : vector<1x1xf32> to vector<1x128xf32>
      %eq3A_256 = arith.cmpf oeq, %slice3A_247, %broadcast_in_dim3A_255 : vector<1x128xf32>
      %broadcast_in_dim3A_257 = vector.broadcast %scan3A : f32 to vector<1x128xf32>
      %select_n3A_258 = arith.select %eq3A_256, %slice3A_248, %broadcast_in_dim3A_257 : vector<1x128xi1>, vector<1x128xf32>
      %reduce_min3A = vector.shape_cast %select_n3A_258 : vector<1x128xf32> to vector<1x1x128xf32>
      %reduce_min3A_259 = arith.constant dense<0x7F800000> : vector<1xf32>
      %reduce_min3A_260 = vector.multi_reduction <minimumf>, %reduce_min3A, %reduce_min3A_259 [1, 2] : vector<1x1x128xf32> to vector<1xf32>
      %reduce_min3A_261 = vector.shape_cast %reduce_min3A_260 : vector<1xf32> to vector<1x1x1xf32>
      %reduce_min3A_262 = vector.extract %reduce_min3A_261[0, 0, 0] : f32 from vector<1x1x1xf32>
      %broadcast_in_dim3A_263 = vector.broadcast %reduce_min3A_262 : f32 to vector<1x1xf32>
      %broadcast_in_dim3A_264 = vector.shape_cast %broadcast_in_dim3A_263 : vector<1x1xf32> to vector<1x1xf32>
      %broadcast_in_dim3A_265 = vector.broadcast %broadcast_in_dim3A_264 : vector<1x1xf32> to vector<1x128xf32>
      %eq3A_266 = arith.cmpf oeq, %slice3A_248, %broadcast_in_dim3A_265 : vector<1x128xf32>
      %slice3A_267 = vector.extract_strided_slice %select_n3A_243 {offsets = [0, 0], sizes = [1, 128], strides = [1, 1]} : vector<8x128xf32> to vector<1x128xf32>
      %broadcast_in_dim3A_268 = vector.broadcast %scan3A_72 : f32 to vector<1x128xf32>
      %select_n3A_269 = arith.select %eq3A_266, %slice3A_267, %broadcast_in_dim3A_268 : vector<1x128xi1>, vector<1x128xf32>
      %reduce_max3A_270 = vector.shape_cast %select_n3A_269 : vector<1x128xf32> to vector<1x1x128xf32>
      %reduce_max3A_271 = arith.constant dense<0xFF800000> : vector<1xf32>
      %reduce_max3A_272 = vector.multi_reduction <maximumf>, %reduce_max3A_270, %reduce_max3A_271 [1, 2] : vector<1x1x128xf32> to vector<1xf32>
      %reduce_max3A_273 = vector.shape_cast %reduce_max3A_272 : vector<1xf32> to vector<1x1x1xf32>
      %reduce_max3A_274 = vector.extract %reduce_max3A_273[0, 0, 0] : f32 from vector<1x1x1xf32>
      %broadcast_in_dim3A_275 = vector.broadcast %reduce_max3A_274 : f32 to vector<1x1xf32>
      %broadcast_in_dim3A_276 = vector.shape_cast %broadcast_in_dim3A_275 : vector<1x1xf32> to vector<1x1xf32>
      %broadcast_in_dim3A_277 = vector.broadcast %broadcast_in_dim3A_276 : vector<1x1xf32> to vector<40x128xf32>
      %slice3A_278 = vector.extract_strided_slice %select_n3A_244 {offsets = [0, 0], sizes = [1, 128], strides = [1, 1]} : vector<8x128xf32> to vector<1x128xf32>
      %broadcast_in_dim3A_279 = vector.broadcast %scan3A_72 : f32 to vector<1x128xf32>
      %select_n3A_280 = arith.select %eq3A_266, %slice3A_278, %broadcast_in_dim3A_279 : vector<1x128xi1>, vector<1x128xf32>
      %reduce_max3A_281 = vector.shape_cast %select_n3A_280 : vector<1x128xf32> to vector<1x1x128xf32>
      %reduce_max3A_282 = arith.constant dense<0xFF800000> : vector<1xf32>
      %reduce_max3A_283 = vector.multi_reduction <maximumf>, %reduce_max3A_281, %reduce_max3A_282 [1, 2] : vector<1x1x128xf32> to vector<1xf32>
      %reduce_max3A_284 = vector.shape_cast %reduce_max3A_283 : vector<1xf32> to vector<1x1x1xf32>
      %reduce_max3A_285 = vector.extract %reduce_max3A_284[0, 0, 0] : f32 from vector<1x1x1xf32>
      %broadcast_in_dim3A_286 = vector.broadcast %reduce_max3A_285 : f32 to vector<1x1xf32>
      %broadcast_in_dim3A_287 = vector.shape_cast %broadcast_in_dim3A_286 : vector<1x1xf32> to vector<1x1xf32>
      %broadcast_in_dim3A_288 = vector.broadcast %broadcast_in_dim3A_287 : vector<1x1xf32> to vector<40x128xf32>
      %slice3A_289 = vector.extract_strided_slice %select_n3A_245 {offsets = [0, 0], sizes = [1, 128], strides = [1, 1]} : vector<8x128xf32> to vector<1x128xf32>
      %broadcast_in_dim3A_290 = vector.broadcast %scan3A_72 : f32 to vector<1x128xf32>
      %select_n3A_291 = arith.select %eq3A_266, %slice3A_289, %broadcast_in_dim3A_290 : vector<1x128xi1>, vector<1x128xf32>
      %reduce_max3A_292 = vector.shape_cast %select_n3A_291 : vector<1x128xf32> to vector<1x1x128xf32>
      %reduce_max3A_293 = arith.constant dense<0xFF800000> : vector<1xf32>
      %reduce_max3A_294 = vector.multi_reduction <maximumf>, %reduce_max3A_292, %reduce_max3A_293 [1, 2] : vector<1x1x128xf32> to vector<1xf32>
      %reduce_max3A_295 = vector.shape_cast %reduce_max3A_294 : vector<1xf32> to vector<1x1x1xf32>
      %reduce_max3A_296 = vector.extract %reduce_max3A_295[0, 0, 0] : f32 from vector<1x1x1xf32>
      %broadcast_in_dim3A_297 = vector.broadcast %reduce_max3A_296 : f32 to vector<1x1xf32>
      %broadcast_in_dim3A_298 = vector.shape_cast %broadcast_in_dim3A_297 : vector<1x1xf32> to vector<1x1xf32>
      %broadcast_in_dim3A_299 = vector.broadcast %broadcast_in_dim3A_298 : vector<1x1xf32> to vector<40x128xf32>
      %slice3A_300 = vector.extract_strided_slice %select_n3A_246 {offsets = [0, 0], sizes = [1, 128], strides = [1, 1]} : vector<8x128xf32> to vector<1x128xf32>
      %broadcast_in_dim3A_301 = vector.broadcast %scan3A_72 : f32 to vector<1x128xf32>
      %select_n3A_302 = arith.select %eq3A_266, %slice3A_300, %broadcast_in_dim3A_301 : vector<1x128xi1>, vector<1x128xf32>
      %reduce_max3A_303 = vector.shape_cast %select_n3A_302 : vector<1x128xf32> to vector<1x1x128xf32>
      %reduce_max3A_304 = arith.constant dense<0xFF800000> : vector<1xf32>
      %reduce_max3A_305 = vector.multi_reduction <maximumf>, %reduce_max3A_303, %reduce_max3A_304 [1, 2] : vector<1x1x128xf32> to vector<1xf32>
      %reduce_max3A_306 = vector.shape_cast %reduce_max3A_305 : vector<1xf32> to vector<1x1x1xf32>
      %reduce_max3A_307 = vector.extract %reduce_max3A_306[0, 0, 0] : f32 from vector<1x1x1xf32>
      %broadcast_in_dim3A_308 = vector.broadcast %reduce_max3A_307 : f32 to vector<1x1xf32>
      %broadcast_in_dim3A_309 = vector.shape_cast %broadcast_in_dim3A_308 : vector<1x1xf32> to vector<1x1xf32>
      %broadcast_in_dim3A_310 = vector.broadcast %broadcast_in_dim3A_309 : vector<1x1xf32> to vector<40x128xf32>
      %broadcast_in_dim3A_311 = vector.shape_cast %broadcast_in_dim3A_263 : vector<1x1xf32> to vector<1x1xf32>
      %broadcast_in_dim3A_312 = vector.broadcast %broadcast_in_dim3A_311 : vector<1x1xf32> to vector<40x128xf32>
      %eq3A_313 = arith.cmpf oeq, %convert_element_type3A, %broadcast_in_dim3A_312 : vector<40x128xf32>
      %mul3A_314 = arith.constant 5.000000e-01 : f32
      %mul3A_315 = vector.broadcast %mul3A_314 : f32 to vector<40x128xf32>
      %mul3A_316 = arith.mulf %mul3A_315, %broadcast_in_dim3A_299 : vector<40x128xf32>
      %sub3A_317 = arith.subf %broadcast_in_dim3A_277, %mul3A_316 : vector<40x128xf32>
      %mul3A_318 = arith.constant 5.000000e-01 : f32
      %mul3A_319 = vector.broadcast %mul3A_318 : f32 to vector<40x128xf32>
      %mul3A_320 = arith.mulf %mul3A_319, %broadcast_in_dim3A_299 : vector<40x128xf32>
      %add3A_321 = arith.addf %broadcast_in_dim3A_277, %mul3A_320 : vector<40x128xf32>
      %mul3A_322 = arith.constant 5.000000e-01 : f32
      %mul3A_323 = vector.broadcast %mul3A_322 : f32 to vector<40x128xf32>
      %mul3A_324 = arith.mulf %mul3A_323, %broadcast_in_dim3A_310 : vector<40x128xf32>
      %sub3A_325 = arith.subf %broadcast_in_dim3A_288, %mul3A_324 : vector<40x128xf32>
      %mul3A_326 = arith.constant 5.000000e-01 : f32
      %mul3A_327 = vector.broadcast %mul3A_326 : f32 to vector<40x128xf32>
      %mul3A_328 = arith.mulf %mul3A_327, %broadcast_in_dim3A_310 : vector<40x128xf32>
      %add3A_329 = arith.addf %broadcast_in_dim3A_288, %mul3A_328 : vector<40x128xf32>
      %mul3A_330 = arith.mulf %broadcast_in_dim3A_299, %broadcast_in_dim3A_310 : vector<40x128xf32>
      %get3A_331 = arith.constant 0 : index
      %get3A_332 = arith.constant 0 : index
      %get3A_333 = vector.load %arg6[%get3A_331, %get3A_332] : memref<40x128xf32, #tpu.memory_space<vmem>>, vector<40x128xf32>
      %min3A = arith.minimumf %get3A_333, %add3A_321 : vector<40x128xf32>
      %get3A_334 = arith.constant 0 : index
      %get3A_335 = arith.constant 0 : index
      %get3A_336 = vector.load %arg5[%get3A_334, %get3A_335] : memref<40x128xf32, #tpu.memory_space<vmem>>, vector<40x128xf32>
      %max3A = arith.maximumf %get3A_336, %sub3A_317 : vector<40x128xf32>
      %sub3A_337 = arith.subf %min3A, %max3A : vector<40x128xf32>
      %max3A_338 = arith.constant 0.000000e+00 : f32
      %max3A_339 = vector.broadcast %max3A_338 : f32 to vector<40x128xf32>
      %max3A_340 = arith.maximumf %sub3A_337, %max3A_339 : vector<40x128xf32>
      %get3A_341 = arith.constant 0 : index
      %get3A_342 = arith.constant 0 : index
      %get3A_343 = vector.load %arg8[%get3A_341, %get3A_342] : memref<40x128xf32, #tpu.memory_space<vmem>>, vector<40x128xf32>
      %min3A_344 = arith.minimumf %get3A_343, %add3A_329 : vector<40x128xf32>
      %get3A_345 = arith.constant 0 : index
      %get3A_346 = arith.constant 0 : index
      %get3A_347 = vector.load %arg7[%get3A_345, %get3A_346] : memref<40x128xf32, #tpu.memory_space<vmem>>, vector<40x128xf32>
      %max3A_348 = arith.maximumf %get3A_347, %sub3A_325 : vector<40x128xf32>
      %sub3A_349 = arith.subf %min3A_344, %max3A_348 : vector<40x128xf32>
      %max3A_350 = arith.constant 0.000000e+00 : f32
      %max3A_351 = vector.broadcast %max3A_350 : f32 to vector<40x128xf32>
      %max3A_352 = arith.maximumf %sub3A_349, %max3A_351 : vector<40x128xf32>
      %mul3A_353 = arith.mulf %max3A_340, %max3A_352 : vector<40x128xf32>
      %get3A_354 = arith.constant 0 : index
      %get3A_355 = arith.constant 0 : index
      %get3A_356 = vector.load %arg9[%get3A_354, %get3A_355] : memref<40x128xf32, #tpu.memory_space<vmem>>, vector<40x128xf32>
      %add3A_357 = arith.addf %get3A_356, %mul3A_330 : vector<40x128xf32>
      %sub3A_358 = arith.subf %add3A_357, %mul3A_353 : vector<40x128xf32>
      %max3A_359 = arith.constant 9.99999993E-9 : f32
      %max3A_360 = vector.broadcast %max3A_359 : f32 to vector<40x128xf32>
      %max3A_361 = arith.maximumf %sub3A_358, %max3A_360 : vector<40x128xf32>
      %div3A = arith.divf %mul3A_353, %max3A_361 : vector<40x128xf32>
      %gt3A_362 = vector.broadcast %get3A_0 : f32 to vector<40x128xf32>
      %gt3A_363 = arith.cmpf ogt, %div3A, %gt3A_362 : vector<40x128xf32>
      %or3A_364 = arith.ori %gt3A_363, %eq3A_313 : vector<40x128xi1>
      %and3A_365 = vector.broadcast %lt3A_83 : i1 to vector<40x128xi1>
      %and3A_366 = arith.andi %or3A_364, %and3A_365 : vector<40x128xi1>
      %jit3A_367 = arith.constant -1.000000e+09 : f32
      %broadcast_in_dim3A_368 = vector.broadcast %jit3A_367 : f32 to vector<40x128xf32>
      %select_n3A_369 = arith.select %and3A_366, %broadcast_in_dim3A_368, %scan3A_80 : vector<40x128xi1>, vector<40x128xf32>
      %convert_element_type3A_370 = arith.fptosi %broadcast_in_dim3A_263 : vector<1x1xf32> to vector<1x1xi32>
      %broadcast_in_dim3A_371 = vector.shape_cast %convert_element_type3A_370 : vector<1x1xi32> to vector<1x1xi32>
      %broadcast_in_dim3A_372 = vector.broadcast %broadcast_in_dim3A_371 : vector<1x1xi32> to vector<2x128xi32>
      %eq3A_373 = vector.broadcast %mul3A_82 : i32 to vector<2x128xi32>
      %eq3A_374 = arith.cmpi eq, %add3A_59, %eq3A_373 : vector<2x128xi32>
      %and3A_375 = vector.broadcast %lt3A_83 : i1 to vector<2x128xi1>
      %and3A_376 = arith.andi %eq3A_374, %and3A_375 : vector<2x128xi1>
      %get3A_377 = arith.constant 0 : index
      %get3A_378 = arith.constant 0 : index
      %get3A_379 = vector.load %arg4[%get3A_377, %get3A_378] : memref<2x128xi32, #tpu.memory_space<vmem>>, vector<2x128xi32>
      %select_n3A_380 = arith.select %and3A_376, %broadcast_in_dim3A_372, %get3A_379 : vector<2x128xi1>, vector<2x128xi32>
      %swap3A_381 = arith.constant 0 : index
      %swap3A_382 = arith.constant 0 : index
      %swap3A_383 = vector.load %arg4[%swap3A_381, %swap3A_382] : memref<2x128xi32, #tpu.memory_space<vmem>>, vector<2x128xi32>
      tpu.vector_store %arg4[%swap3A_381, %swap3A_382], %select_n3A_380 {strides = array<i32>} : memref<2x128xi32, #tpu.memory_space<vmem>>, vector<2x128xi32>,
      %mul3A_384 = arith.constant 4 : i32
      %mul3A_385 = arith.muli %mul3A_384, %scan3A_79 : i32
      %add3A_386 = arith.constant 1 : i32
      %add3A_387 = arith.addi %mul3A_385, %add3A_386 : i32
      %lt3A_388 = arith.cmpi slt, %add3A_387, %get3A_2 : i32
      %iota3A_389 = tpu.iota {dimensions = array<i32: 0>} : vector<40x128xi32>
      %iota3A_390 = tpu.iota {dimensions = array<i32: 1>} : vector<40x128xi32>
      %mul3A_391 = arith.constant 128 : i32
      %mul3A_392 = vector.broadcast %mul3A_391 : i32 to vector<40x128xi32>
      %mul3A_393 = arith.muli %iota3A_389, %mul3A_392 : vector<40x128xi32>
      %add3A_394 = arith.addi %mul3A_393, %iota3A_390 : vector<40x128xi32>
      %convert_element_type3A_395 = arith.sitofp %add3A_394 : vector<40x128xi32> to vector<40x128xf32>
      %get3A_396 = arith.constant 0 : index
      %get3A_397 = arith.constant 0 : index
      %get3A_398 = arith.constant 0 : index
      %get3A_399 = vector.load %arg0[%get3A_396, %get3A_397, %get3A_398] : memref<4x40x128xf32, #tpu.memory_space<vmem>>, vector<1x40x128xf32>
      %get3A_400 = vector.shape_cast %get3A_399 : vector<1x40x128xf32> to vector<40x128xf32>
      %get3A_401 = arith.constant 1 : index
      %get3A_402 = arith.constant 0 : index
      %get3A_403 = arith.constant 0 : index
      %get3A_404 = vector.load %arg0[%get3A_401, %get3A_402, %get3A_403] : memref<4x40x128xf32, #tpu.memory_space<vmem>>, vector<1x40x128xf32>
      %get3A_405 = vector.shape_cast %get3A_404 : vector<1x40x128xf32> to vector<40x128xf32>
      %get3A_406 = arith.constant 2 : index
      %get3A_407 = arith.constant 0 : index
      %get3A_408 = arith.constant 0 : index
      %get3A_409 = vector.load %arg0[%get3A_406, %get3A_407, %get3A_408] : memref<4x40x128xf32, #tpu.memory_space<vmem>>, vector<1x40x128xf32>
      %get3A_410 = vector.shape_cast %get3A_409 : vector<1x40x128xf32> to vector<40x128xf32>
      %get3A_411 = arith.constant 3 : index
      %get3A_412 = arith.constant 0 : index
      %get3A_413 = arith.constant 0 : index
      %get3A_414 = vector.load %arg0[%get3A_411, %get3A_412, %get3A_413] : memref<4x40x128xf32, #tpu.memory_space<vmem>>, vector<1x40x128xf32>
      %get3A_415 = vector.shape_cast %get3A_414 : vector<1x40x128xf32> to vector<40x128xf32>
      %slice3A_416 = vector.extract_strided_slice %select_n3A_369 {offsets = [0, 0], sizes = [8, 128], strides = [1, 1]} : vector<40x128xf32> to vector<8x128xf32>
      %slice3A_417 = vector.extract_strided_slice %convert_element_type3A_395 {offsets = [0, 0], sizes = [8, 128], strides = [1, 1]} : vector<40x128xf32> to vector<8x128xf32>
      %slice3A_418 = vector.extract_strided_slice %get3A_400 {offsets = [0, 0], sizes = [8, 128], strides = [1, 1]} : vector<40x128xf32> to vector<8x128xf32>
      %slice3A_419 = vector.extract_strided_slice %get3A_405 {offsets = [0, 0], sizes = [8, 128], strides = [1, 1]} : vector<40x128xf32> to vector<8x128xf32>
      %slice3A_420 = vector.extract_strided_slice %get3A_410 {offsets = [0, 0], sizes = [8, 128], strides = [1, 1]} : vector<40x128xf32> to vector<8x128xf32>
      %slice3A_421 = vector.extract_strided_slice %get3A_415 {offsets = [0, 0], sizes = [8, 128], strides = [1, 1]} : vector<40x128xf32> to vector<8x128xf32>
      %slice3A_422 = vector.extract_strided_slice %select_n3A_369 {offsets = [8, 0], sizes = [8, 128], strides = [1, 1]} : vector<40x128xf32> to vector<8x128xf32>
      %slice3A_423 = vector.extract_strided_slice %convert_element_type3A_395 {offsets = [8, 0], sizes = [8, 128], strides = [1, 1]} : vector<40x128xf32> to vector<8x128xf32>
      %slice3A_424 = vector.extract_strided_slice %get3A_400 {offsets = [8, 0], sizes = [8, 128], strides = [1, 1]} : vector<40x128xf32> to vector<8x128xf32>
      %slice3A_425 = vector.extract_strided_slice %get3A_405 {offsets = [8, 0], sizes = [8, 128], strides = [1, 1]} : vector<40x128xf32> to vector<8x128xf32>
      %slice3A_426 = vector.extract_strided_slice %get3A_410 {offsets = [8, 0], sizes = [8, 128], strides = [1, 1]} : vector<40x128xf32> to vector<8x128xf32>
      %slice3A_427 = vector.extract_strided_slice %get3A_415 {offsets = [8, 0], sizes = [8, 128], strides = [1, 1]} : vector<40x128xf32> to vector<8x128xf32>
      %gt3A_428 = arith.cmpf ogt, %slice3A_416, %slice3A_422 : vector<8x128xf32>
      %eq3A_429 = arith.cmpf oeq, %slice3A_416, %slice3A_422 : vector<8x128xf32>
      %lt3A_430 = arith.cmpf olt, %slice3A_417, %slice3A_423 : vector<8x128xf32>
      %and3A_431 = arith.andi %eq3A_429, %lt3A_430 : vector<8x128xi1>
      %or3A_432 = arith.ori %gt3A_428, %and3A_431 : vector<8x128xi1>
      %select_n3A_433 = arith.select %or3A_432, %slice3A_416, %slice3A_422 : vector<8x128xi1>, vector<8x128xf32>
      %select_n3A_434 = arith.select %or3A_432, %slice3A_417, %slice3A_423 : vector<8x128xi1>, vector<8x128xf32>
      %select_n3A_435 = arith.select %or3A_432, %slice3A_418, %slice3A_424 : vector<8x128xi1>, vector<8x128xf32>
      %select_n3A_436 = arith.select %or3A_432, %slice3A_419, %slice3A_425 : vector<8x128xi1>, vector<8x128xf32>
      %select_n3A_437 = arith.select %or3A_432, %slice3A_420, %slice3A_426 : vector<8x128xi1>, vector<8x128xf32>
      %select_n3A_438 = arith.select %or3A_432, %slice3A_421, %slice3A_427 : vector<8x128xi1>, vector<8x128xf32>
      %slice3A_439 = vector.extract_strided_slice %select_n3A_369 {offsets = [16, 0], sizes = [8, 128], strides = [1, 1]} : vector<40x128xf32> to vector<8x128xf32>
      %slice3A_440 = vector.extract_strided_slice %convert_element_type3A_395 {offsets = [16, 0], sizes = [8, 128], strides = [1, 1]} : vector<40x128xf32> to vector<8x128xf32>
      %slice3A_441 = vector.extract_strided_slice %get3A_400 {offsets = [16, 0], sizes = [8, 128], strides = [1, 1]} : vector<40x128xf32> to vector<8x128xf32>
      %slice3A_442 = vector.extract_strided_slice %get3A_405 {offsets = [16, 0], sizes = [8, 128], strides = [1, 1]} : vector<40x128xf32> to vector<8x128xf32>
      %slice3A_443 = vector.extract_strided_slice %get3A_410 {offsets = [16, 0], sizes = [8, 128], strides = [1, 1]} : vector<40x128xf32> to vector<8x128xf32>
      %slice3A_444 = vector.extract_strided_slice %get3A_415 {offsets = [16, 0], sizes = [8, 128], strides = [1, 1]} : vector<40x128xf32> to vector<8x128xf32>
      %gt3A_445 = arith.cmpf ogt, %select_n3A_433, %slice3A_439 : vector<8x128xf32>
      %eq3A_446 = arith.cmpf oeq, %select_n3A_433, %slice3A_439 : vector<8x128xf32>
      %lt3A_447 = arith.cmpf olt, %select_n3A_434, %slice3A_440 : vector<8x128xf32>
      %and3A_448 = arith.andi %eq3A_446, %lt3A_447 : vector<8x128xi1>
      %or3A_449 = arith.ori %gt3A_445, %and3A_448 : vector<8x128xi1>
      %select_n3A_450 = arith.select %or3A_449, %select_n3A_433, %slice3A_439 : vector<8x128xi1>, vector<8x128xf32>
      %select_n3A_451 = arith.select %or3A_449, %select_n3A_434, %slice3A_440 : vector<8x128xi1>, vector<8x128xf32>
      %select_n3A_452 = arith.select %or3A_449, %select_n3A_435, %slice3A_441 : vector<8x128xi1>, vector<8x128xf32>
      %select_n3A_453 = arith.select %or3A_449, %select_n3A_436, %slice3A_442 : vector<8x128xi1>, vector<8x128xf32>
      %select_n3A_454 = arith.select %or3A_449, %select_n3A_437, %slice3A_443 : vector<8x128xi1>, vector<8x128xf32>
      %select_n3A_455 = arith.select %or3A_449, %select_n3A_438, %slice3A_444 : vector<8x128xi1>, vector<8x128xf32>
      %slice3A_456 = vector.extract_strided_slice %select_n3A_369 {offsets = [24, 0], sizes = [8, 128], strides = [1, 1]} : vector<40x128xf32> to vector<8x128xf32>
      %slice3A_457 = vector.extract_strided_slice %convert_element_type3A_395 {offsets = [24, 0], sizes = [8, 128], strides = [1, 1]} : vector<40x128xf32> to vector<8x128xf32>
      %slice3A_458 = vector.extract_strided_slice %get3A_400 {offsets = [24, 0], sizes = [8, 128], strides = [1, 1]} : vector<40x128xf32> to vector<8x128xf32>
      %slice3A_459 = vector.extract_strided_slice %get3A_405 {offsets = [24, 0], sizes = [8, 128], strides = [1, 1]} : vector<40x128xf32> to vector<8x128xf32>
      %slice3A_460 = vector.extract_strided_slice %get3A_410 {offsets = [24, 0], sizes = [8, 128], strides = [1, 1]} : vector<40x128xf32> to vector<8x128xf32>
      %slice3A_461 = vector.extract_strided_slice %get3A_415 {offsets = [24, 0], sizes = [8, 128], strides = [1, 1]} : vector<40x128xf32> to vector<8x128xf32>
      %gt3A_462 = arith.cmpf ogt, %select_n3A_450, %slice3A_456 : vector<8x128xf32>
      %eq3A_463 = arith.cmpf oeq, %select_n3A_450, %slice3A_456 : vector<8x128xf32>
      %lt3A_464 = arith.cmpf olt, %select_n3A_451, %slice3A_457 : vector<8x128xf32>
      %and3A_465 = arith.andi %eq3A_463, %lt3A_464 : vector<8x128xi1>
      %or3A_466 = arith.ori %gt3A_462, %and3A_465 : vector<8x128xi1>
      %select_n3A_467 = arith.select %or3A_466, %select_n3A_450, %slice3A_456 : vector<8x128xi1>, vector<8x128xf32>
      %select_n3A_468 = arith.select %or3A_466, %select_n3A_451, %slice3A_457 : vector<8x128xi1>, vector<8x128xf32>
      %select_n3A_469 = arith.select %or3A_466, %select_n3A_452, %slice3A_458 : vector<8x128xi1>, vector<8x128xf32>
      %select_n3A_470 = arith.select %or3A_466, %select_n3A_453, %slice3A_459 : vector<8x128xi1>, vector<8x128xf32>
      %select_n3A_471 = arith.select %or3A_466, %select_n3A_454, %slice3A_460 : vector<8x128xi1>, vector<8x128xf32>
      %select_n3A_472 = arith.select %or3A_466, %select_n3A_455, %slice3A_461 : vector<8x128xi1>, vector<8x128xf32>
      %slice3A_473 = vector.extract_strided_slice %select_n3A_369 {offsets = [32, 0], sizes = [8, 128], strides = [1, 1]} : vector<40x128xf32> to vector<8x128xf32>
      %slice3A_474 = vector.extract_strided_slice %convert_element_type3A_395 {offsets = [32, 0], sizes = [8, 128], strides = [1, 1]} : vector<40x128xf32> to vector<8x128xf32>
      %slice3A_475 = vector.extract_strided_slice %get3A_400 {offsets = [32, 0], sizes = [8, 128], strides = [1, 1]} : vector<40x128xf32> to vector<8x128xf32>
      %slice3A_476 = vector.extract_strided_slice %get3A_405 {offsets = [32, 0], sizes = [8, 128], strides = [1, 1]} : vector<40x128xf32> to vector<8x128xf32>
      %slice3A_477 = vector.extract_strided_slice %get3A_410 {offsets = [32, 0], sizes = [8, 128], strides = [1, 1]} : vector<40x128xf32> to vector<8x128xf32>
      %slice3A_478 = vector.extract_strided_slice %get3A_415 {offsets = [32, 0], sizes = [8, 128], strides = [1, 1]} : vector<40x128xf32> to vector<8x128xf32>
      %gt3A_479 = arith.cmpf ogt, %select_n3A_467, %slice3A_473 : vector<8x128xf32>
      %eq3A_480 = arith.cmpf oeq, %select_n3A_467, %slice3A_473 : vector<8x128xf32>
      %lt3A_481 = arith.cmpf olt, %select_n3A_468, %slice3A_474 : vector<8x128xf32>
      %and3A_482 = arith.andi %eq3A_480, %lt3A_481 : vector<8x128xi1>
      %or3A_483 = arith.ori %gt3A_479, %and3A_482 : vector<8x128xi1>
      %select_n3A_484 = arith.select %or3A_483, %select_n3A_467, %slice3A_473 : vector<8x128xi1>, vector<8x128xf32>
      %select_n3A_485 = arith.select %or3A_483, %select_n3A_468, %slice3A_474 : vector<8x128xi1>, vector<8x128xf32>
      %select_n3A_486 = arith.select %or3A_483, %select_n3A_469, %slice3A_475 : vector<8x128xi1>, vector<8x128xf32>
      %select_n3A_487 = arith.select %or3A_483, %select_n3A_470, %slice3A_476 : vector<8x128xi1>, vector<8x128xf32>
      %select_n3A_488 = arith.select %or3A_483, %select_n3A_471, %slice3A_477 : vector<8x128xi1>, vector<8x128xf32>
      %select_n3A_489 = arith.select %or3A_483, %select_n3A_472, %slice3A_478 : vector<8x128xi1>, vector<8x128xf32>
      %roll3A_490 = arith.constant 4 : i32
      %roll3A_491 = tpu.dynamic_rotate %select_n3A_484 by %roll3A_490 dim 0 : vector<8x128xf32>, i32 -> vector<8x128xf32>
      %roll3A_492 = arith.constant 4 : i32
      %roll3A_493 = tpu.dynamic_rotate %select_n3A_485 by %roll3A_492 dim 0 : vector<8x128xf32>, i32 -> vector<8x128xf32>
      %roll3A_494 = arith.constant 4 : i32
      %roll3A_495 = tpu.dynamic_rotate %select_n3A_486 by %roll3A_494 dim 0 : vector<8x128xf32>, i32 -> vector<8x128xf32>
      %roll3A_496 = arith.constant 4 : i32
      %roll3A_497 = tpu.dynamic_rotate %select_n3A_487 by %roll3A_496 dim 0 : vector<8x128xf32>, i32 -> vector<8x128xf32>
      %roll3A_498 = arith.constant 4 : i32
      %roll3A_499 = tpu.dynamic_rotate %select_n3A_488 by %roll3A_498 dim 0 : vector<8x128xf32>, i32 -> vector<8x128xf32>
      %roll3A_500 = arith.constant 4 : i32
      %roll3A_501 = tpu.dynamic_rotate %select_n3A_489 by %roll3A_500 dim 0 : vector<8x128xf32>, i32 -> vector<8x128xf32>
      %gt3A_502 = arith.cmpf ogt, %select_n3A_484, %roll3A_491 : vector<8x128xf32>
      %eq3A_503 = arith.cmpf oeq, %select_n3A_484, %roll3A_491 : vector<8x128xf32>
      %lt3A_504 = arith.cmpf olt, %select_n3A_485, %roll3A_493 : vector<8x128xf32>
      %and3A_505 = arith.andi %eq3A_503, %lt3A_504 : vector<8x128xi1>
      %or3A_506 = arith.ori %gt3A_502, %and3A_505 : vector<8x128xi1>
      %select_n3A_507 = arith.select %or3A_506, %select_n3A_484, %roll3A_491 : vector<8x128xi1>, vector<8x128xf32>
      %select_n3A_508 = arith.select %or3A_506, %select_n3A_485, %roll3A_493 : vector<8x128xi1>, vector<8x128xf32>
      %select_n3A_509 = arith.select %or3A_506, %select_n3A_486, %roll3A_495 : vector<8x128xi1>, vector<8x128xf32>
      %select_n3A_510 = arith.select %or3A_506, %select_n3A_487, %roll3A_497 : vector<8x128xi1>, vector<8x128xf32>
      %select_n3A_511 = arith.select %or3A_506, %select_n3A_488, %roll3A_499 : vector<8x128xi1>, vector<8x128xf32>
      %select_n3A_512 = arith.select %or3A_506, %select_n3A_489, %roll3A_501 : vector<8x128xi1>, vector<8x128xf32>
      %roll3A_513 = arith.constant 2 : i32
      %roll3A_514 = tpu.dynamic_rotate %select_n3A_507 by %roll3A_513 dim 0 : vector<8x128xf32>, i32 -> vector<8x128xf32>
      %roll3A_515 = arith.constant 2 : i32
      %roll3A_516 = tpu.dynamic_rotate %select_n3A_508 by %roll3A_515 dim 0 : vector<8x128xf32>, i32 -> vector<8x128xf32>
      %roll3A_517 = arith.constant 2 : i32
      %roll3A_518 = tpu.dynamic_rotate %select_n3A_509 by %roll3A_517 dim 0 : vector<8x128xf32>, i32 -> vector<8x128xf32>
      %roll3A_519 = arith.constant 2 : i32
      %roll3A_520 = tpu.dynamic_rotate %select_n3A_510 by %roll3A_519 dim 0 : vector<8x128xf32>, i32 -> vector<8x128xf32>
      %roll3A_521 = arith.constant 2 : i32
      %roll3A_522 = tpu.dynamic_rotate %select_n3A_511 by %roll3A_521 dim 0 : vector<8x128xf32>, i32 -> vector<8x128xf32>
      %roll3A_523 = arith.constant 2 : i32
      %roll3A_524 = tpu.dynamic_rotate %select_n3A_512 by %roll3A_523 dim 0 : vector<8x128xf32>, i32 -> vector<8x128xf32>
      %gt3A_525 = arith.cmpf ogt, %select_n3A_507, %roll3A_514 : vector<8x128xf32>
      %eq3A_526 = arith.cmpf oeq, %select_n3A_507, %roll3A_514 : vector<8x128xf32>
      %lt3A_527 = arith.cmpf olt, %select_n3A_508, %roll3A_516 : vector<8x128xf32>
      %and3A_528 = arith.andi %eq3A_526, %lt3A_527 : vector<8x128xi1>
      %or3A_529 = arith.ori %gt3A_525, %and3A_528 : vector<8x128xi1>
      %select_n3A_530 = arith.select %or3A_529, %select_n3A_507, %roll3A_514 : vector<8x128xi1>, vector<8x128xf32>
      %select_n3A_531 = arith.select %or3A_529, %select_n3A_508, %roll3A_516 : vector<8x128xi1>, vector<8x128xf32>
      %select_n3A_532 = arith.select %or3A_529, %select_n3A_509, %roll3A_518 : vector<8x128xi1>, vector<8x128xf32>
      %select_n3A_533 = arith.select %or3A_529, %select_n3A_510, %roll3A_520 : vector<8x128xi1>, vector<8x128xf32>
      %select_n3A_534 = arith.select %or3A_529, %select_n3A_511, %roll3A_522 : vector<8x128xi1>, vector<8x128xf32>
      %select_n3A_535 = arith.select %or3A_529, %select_n3A_512, %roll3A_524 : vector<8x128xi1>, vector<8x128xf32>
      %roll3A_536 = arith.constant 1 : i32
      %roll3A_537 = tpu.dynamic_rotate %select_n3A_530 by %roll3A_536 dim 0 : vector<8x128xf32>, i32 -> vector<8x128xf32>
      %roll3A_538 = arith.constant 1 : i32
      %roll3A_539 = tpu.dynamic_rotate %select_n3A_531 by %roll3A_538 dim 0 : vector<8x128xf32>, i32 -> vector<8x128xf32>
      %roll3A_540 = arith.constant 1 : i32
      %roll3A_541 = tpu.dynamic_rotate %select_n3A_532 by %roll3A_540 dim 0 : vector<8x128xf32>, i32 -> vector<8x128xf32>
      %roll3A_542 = arith.constant 1 : i32
      %roll3A_543 = tpu.dynamic_rotate %select_n3A_533 by %roll3A_542 dim 0 : vector<8x128xf32>, i32 -> vector<8x128xf32>
      %roll3A_544 = arith.constant 1 : i32
      %roll3A_545 = tpu.dynamic_rotate %select_n3A_534 by %roll3A_544 dim 0 : vector<8x128xf32>, i32 -> vector<8x128xf32>
      %roll3A_546 = arith.constant 1 : i32
      %roll3A_547 = tpu.dynamic_rotate %select_n3A_535 by %roll3A_546 dim 0 : vector<8x128xf32>, i32 -> vector<8x128xf32>
      %gt3A_548 = arith.cmpf ogt, %select_n3A_530, %roll3A_537 : vector<8x128xf32>
      %eq3A_549 = arith.cmpf oeq, %select_n3A_530, %roll3A_537 : vector<8x128xf32>
      %lt3A_550 = arith.cmpf olt, %select_n3A_531, %roll3A_539 : vector<8x128xf32>
      %and3A_551 = arith.andi %eq3A_549, %lt3A_550 : vector<8x128xi1>
      %or3A_552 = arith.ori %gt3A_548, %and3A_551 : vector<8x128xi1>
      %select_n3A_553 = arith.select %or3A_552, %select_n3A_530, %roll3A_537 : vector<8x128xi1>, vector<8x128xf32>
      %select_n3A_554 = arith.select %or3A_552, %select_n3A_531, %roll3A_539 : vector<8x128xi1>, vector<8x128xf32>
      %select_n3A_555 = arith.select %or3A_552, %select_n3A_532, %roll3A_541 : vector<8x128xi1>, vector<8x128xf32>
      %select_n3A_556 = arith.select %or3A_552, %select_n3A_533, %roll3A_543 : vector<8x128xi1>, vector<8x128xf32>
      %select_n3A_557 = arith.select %or3A_552, %select_n3A_534, %roll3A_545 : vector<8x128xi1>, vector<8x128xf32>
      %select_n3A_558 = arith.select %or3A_552, %select_n3A_535, %roll3A_547 : vector<8x128xi1>, vector<8x128xf32>
      %slice3A_559 = vector.extract_strided_slice %select_n3A_553 {offsets = [0, 0], sizes = [1, 128], strides = [1, 1]} : vector<8x128xf32> to vector<1x128xf32>
      %slice3A_560 = vector.extract_strided_slice %select_n3A_554 {offsets = [0, 0], sizes = [1, 128], strides = [1, 1]} : vector<8x128xf32> to vector<1x128xf32>
      %reduce_max3A_561 = vector.shape_cast %slice3A_559 : vector<1x128xf32> to vector<1x1x128xf32>
      %reduce_max3A_562 = arith.constant dense<0xFF800000> : vector<1xf32>
      %reduce_max3A_563 = vector.multi_reduction <maximumf>, %reduce_max3A_561, %reduce_max3A_562 [1, 2] : vector<1x1x128xf32> to vector<1xf32>
      %reduce_max3A_564 = vector.shape_cast %reduce_max3A_563 : vector<1xf32> to vector<1x1x1xf32>
      %reduce_max3A_565 = vector.extract %reduce_max3A_564[0, 0, 0] : f32 from vector<1x1x1xf32>
      %broadcast_in_dim3A_566 = vector.broadcast %reduce_max3A_565 : f32 to vector<1x1xf32>
      %broadcast_in_dim3A_567 = vector.shape_cast %broadcast_in_dim3A_566 : vector<1x1xf32> to vector<1x1xf32>
      %broadcast_in_dim3A_568 = vector.broadcast %broadcast_in_dim3A_567 : vector<1x1xf32> to vector<1x128xf32>
      %eq3A_569 = arith.cmpf oeq, %slice3A_559, %broadcast_in_dim3A_568 : vector<1x128xf32>
      %broadcast_in_dim3A_570 = vector.broadcast %scan3A : f32 to vector<1x128xf32>
      %select_n3A_571 = arith.select %eq3A_569, %slice3A_560, %broadcast_in_dim3A_570 : vector<1x128xi1>, vector<1x128xf32>
      %reduce_min3A_572 = vector.shape_cast %select_n3A_571 : vector<1x128xf32> to vector<1x1x128xf32>
      %reduce_min3A_573 = arith.constant dense<0x7F800000> : vector<1xf32>
      %reduce_min3A_574 = vector.multi_reduction <minimumf>, %reduce_min3A_572, %reduce_min3A_573 [1, 2] : vector<1x1x128xf32> to vector<1xf32>
      %reduce_min3A_575 = vector.shape_cast %reduce_min3A_574 : vector<1xf32> to vector<1x1x1xf32>
      %reduce_min3A_576 = vector.extract %reduce_min3A_575[0, 0, 0] : f32 from vector<1x1x1xf32>
      %broadcast_in_dim3A_577 = vector.broadcast %reduce_min3A_576 : f32 to vector<1x1xf32>
      %broadcast_in_dim3A_578 = vector.shape_cast %broadcast_in_dim3A_577 : vector<1x1xf32> to vector<1x1xf32>
      %broadcast_in_dim3A_579 = vector.broadcast %broadcast_in_dim3A_578 : vector<1x1xf32> to vector<1x128xf32>
      %eq3A_580 = arith.cmpf oeq, %slice3A_560, %broadcast_in_dim3A_579 : vector<1x128xf32>
      %slice3A_581 = vector.extract_strided_slice %select_n3A_555 {offsets = [0, 0], sizes = [1, 128], strides = [1, 1]} : vector<8x128xf32> to vector<1x128xf32>
      %broadcast_in_dim3A_582 = vector.broadcast %scan3A_72 : f32 to vector<1x128xf32>
      %select_n3A_583 = arith.select %eq3A_580, %slice3A_581, %broadcast_in_dim3A_582 : vector<1x128xi1>, vector<1x128xf32>
      %reduce_max3A_584 = vector.shape_cast %select_n3A_583 : vector<1x128xf32> to vector<1x1x128xf32>
      %reduce_max3A_585 = arith.constant dense<0xFF800000> : vector<1xf32>
      %reduce_max3A_586 = vector.multi_reduction <maximumf>, %reduce_max3A_584, %reduce_max3A_585 [1, 2] : vector<1x1x128xf32> to vector<1xf32>
      %reduce_max3A_587 = vector.shape_cast %reduce_max3A_586 : vector<1xf32> to vector<1x1x1xf32>
      %reduce_max3A_588 = vector.extract %reduce_max3A_587[0, 0, 0] : f32 from vector<1x1x1xf32>
      %broadcast_in_dim3A_589 = vector.broadcast %reduce_max3A_588 : f32 to vector<1x1xf32>
      %broadcast_in_dim3A_590 = vector.shape_cast %broadcast_in_dim3A_589 : vector<1x1xf32> to vector<1x1xf32>
      %broadcast_in_dim3A_591 = vector.broadcast %broadcast_in_dim3A_590 : vector<1x1xf32> to vector<40x128xf32>
      %slice3A_592 = vector.extract_strided_slice %select_n3A_556 {offsets = [0, 0], sizes = [1, 128], strides = [1, 1]} : vector<8x128xf32> to vector<1x128xf32>
      %broadcast_in_dim3A_593 = vector.broadcast %scan3A_72 : f32 to vector<1x128xf32>
      %select_n3A_594 = arith.select %eq3A_580, %slice3A_592, %broadcast_in_dim3A_593 : vector<1x128xi1>, vector<1x128xf32>
      %reduce_max3A_595 = vector.shape_cast %select_n3A_594 : vector<1x128xf32> to vector<1x1x128xf32>
      %reduce_max3A_596 = arith.constant dense<0xFF800000> : vector<1xf32>
      %reduce_max3A_597 = vector.multi_reduction <maximumf>, %reduce_max3A_595, %reduce_max3A_596 [1, 2] : vector<1x1x128xf32> to vector<1xf32>
      %reduce_max3A_598 = vector.shape_cast %reduce_max3A_597 : vector<1xf32> to vector<1x1x1xf32>
      %reduce_max3A_599 = vector.extract %reduce_max3A_598[0, 0, 0] : f32 from vector<1x1x1xf32>
      %broadcast_in_dim3A_600 = vector.broadcast %reduce_max3A_599 : f32 to vector<1x1xf32>
      %broadcast_in_dim3A_601 = vector.shape_cast %broadcast_in_dim3A_600 : vector<1x1xf32> to vector<1x1xf32>
      %broadcast_in_dim3A_602 = vector.broadcast %broadcast_in_dim3A_601 : vector<1x1xf32> to vector<40x128xf32>
      %slice3A_603 = vector.extract_strided_slice %select_n3A_557 {offsets = [0, 0], sizes = [1, 128], strides = [1, 1]} : vector<8x128xf32> to vector<1x128xf32>
      %broadcast_in_dim3A_604 = vector.broadcast %scan3A_72 : f32 to vector<1x128xf32>
      %select_n3A_605 = arith.select %eq3A_580, %slice3A_603, %broadcast_in_dim3A_604 : vector<1x128xi1>, vector<1x128xf32>
      %reduce_max3A_606 = vector.shape_cast %select_n3A_605 : vector<1x128xf32> to vector<1x1x128xf32>
      %reduce_max3A_607 = arith.constant dense<0xFF800000> : vector<1xf32>
      %reduce_max3A_608 = vector.multi_reduction <maximumf>, %reduce_max3A_606, %reduce_max3A_607 [1, 2] : vector<1x1x128xf32> to vector<1xf32>
      %reduce_max3A_609 = vector.shape_cast %reduce_max3A_608 : vector<1xf32> to vector<1x1x1xf32>
      %reduce_max3A_610 = vector.extract %reduce_max3A_609[0, 0, 0] : f32 from vector<1x1x1xf32>
      %broadcast_in_dim3A_611 = vector.broadcast %reduce_max3A_610 : f32 to vector<1x1xf32>
      %broadcast_in_dim3A_612 = vector.shape_cast %broadcast_in_dim3A_611 : vector<1x1xf32> to vector<1x1xf32>
      %broadcast_in_dim3A_613 = vector.broadcast %broadcast_in_dim3A_612 : vector<1x1xf32> to vector<40x128xf32>
      %slice3A_614 = vector.extract_strided_slice %select_n3A_558 {offsets = [0, 0], sizes = [1, 128], strides = [1, 1]} : vector<8x128xf32> to vector<1x128xf32>
      %broadcast_in_dim3A_615 = vector.broadcast %scan3A_72 : f32 to vector<1x128xf32>
      %select_n3A_616 = arith.select %eq3A_580, %slice3A_614, %broadcast_in_dim3A_615 : vector<1x128xi1>, vector<1x128xf32>
      %reduce_max3A_617 = vector.shape_cast %select_n3A_616 : vector<1x128xf32> to vector<1x1x128xf32>
      %reduce_max3A_618 = arith.constant dense<0xFF800000> : vector<1xf32>
      %reduce_max3A_619 = vector.multi_reduction <maximumf>, %reduce_max3A_617, %reduce_max3A_618 [1, 2] : vector<1x1x128xf32> to vector<1xf32>
      %reduce_max3A_620 = vector.shape_cast %reduce_max3A_619 : vector<1xf32> to vector<1x1x1xf32>
      %reduce_max3A_621 = vector.extract %reduce_max3A_620[0, 0, 0] : f32 from vector<1x1x1xf32>
      %broadcast_in_dim3A_622 = vector.broadcast %reduce_max3A_621 : f32 to vector<1x1xf32>
      %broadcast_in_dim3A_623 = vector.shape_cast %broadcast_in_dim3A_622 : vector<1x1xf32> to vector<1x1xf32>
      %broadcast_in_dim3A_624 = vector.broadcast %broadcast_in_dim3A_623 : vector<1x1xf32> to vector<40x128xf32>
      %broadcast_in_dim3A_625 = vector.shape_cast %broadcast_in_dim3A_577 : vector<1x1xf32> to vector<1x1xf32>
      %broadcast_in_dim3A_626 = vector.broadcast %broadcast_in_dim3A_625 : vector<1x1xf32> to vector<40x128xf32>
      %eq3A_627 = arith.cmpf oeq, %convert_element_type3A_395, %broadcast_in_dim3A_626 : vector<40x128xf32>
      %mul3A_628 = arith.constant 5.000000e-01 : f32
      %mul3A_629 = vector.broadcast %mul3A_628 : f32 to vector<40x128xf32>
      %mul3A_630 = arith.mulf %mul3A_629, %broadcast_in_dim3A_613 : vector<40x128xf32>
      %sub3A_631 = arith.subf %broadcast_in_dim3A_591, %mul3A_630 : vector<40x128xf32>
      %mul3A_632 = arith.constant 5.000000e-01 : f32
      %mul3A_633 = vector.broadcast %mul3A_632 : f32 to vector<40x128xf32>
      %mul3A_634 = arith.mulf %mul3A_633, %broadcast_in_dim3A_613 : vector<40x128xf32>
      %add3A_635 = arith.addf %broadcast_in_dim3A_591, %mul3A_634 : vector<40x128xf32>
      %mul3A_636 = arith.constant 5.000000e-01 : f32
      %mul3A_637 = vector.broadcast %mul3A_636 : f32 to vector<40x128xf32>
      %mul3A_638 = arith.mulf %mul3A_637, %broadcast_in_dim3A_624 : vector<40x128xf32>
      %sub3A_639 = arith.subf %broadcast_in_dim3A_602, %mul3A_638 : vector<40x128xf32>
      %mul3A_640 = arith.constant 5.000000e-01 : f32
      %mul3A_641 = vector.broadcast %mul3A_640 : f32 to vector<40x128xf32>
      %mul3A_642 = arith.mulf %mul3A_641, %broadcast_in_dim3A_624 : vector<40x128xf32>
      %add3A_643 = arith.addf %broadcast_in_dim3A_602, %mul3A_642 : vector<40x128xf32>
      %mul3A_644 = arith.mulf %broadcast_in_dim3A_613, %broadcast_in_dim3A_624 : vector<40x128xf32>
      %get3A_645 = arith.constant 0 : index
      %get3A_646 = arith.constant 0 : index
      %get3A_647 = vector.load %arg6[%get3A_645, %get3A_646] : memref<40x128xf32, #tpu.memory_space<vmem>>, vector<40x128xf32>
      %min3A_648 = arith.minimumf %get3A_647, %add3A_635 : vector<40x128xf32>
      %get3A_649 = arith.constant 0 : index
      %get3A_650 = arith.constant 0 : index
      %get3A_651 = vector.load %arg5[%get3A_649, %get3A_650] : memref<40x128xf32, #tpu.memory_space<vmem>>, vector<40x128xf32>
      %max3A_652 = arith.maximumf %get3A_651, %sub3A_631 : vector<40x128xf32>
      %sub3A_653 = arith.subf %min3A_648, %max3A_652 : vector<40x128xf32>
      %max3A_654 = arith.constant 0.000000e+00 : f32
      %max3A_655 = vector.broadcast %max3A_654 : f32 to vector<40x128xf32>
      %max3A_656 = arith.maximumf %sub3A_653, %max3A_655 : vector<40x128xf32>
      %get3A_657 = arith.constant 0 : index
      %get3A_658 = arith.constant 0 : index
      %get3A_659 = vector.load %arg8[%get3A_657, %get3A_658] : memref<40x128xf32, #tpu.memory_space<vmem>>, vector<40x128xf32>
      %min3A_660 = arith.minimumf %get3A_659, %add3A_643 : vector<40x128xf32>
      %get3A_661 = arith.constant 0 : index
      %get3A_662 = arith.constant 0 : index
      %get3A_663 = vector.load %arg7[%get3A_661, %get3A_662] : memref<40x128xf32, #tpu.memory_space<vmem>>, vector<40x128xf32>
      %max3A_664 = arith.maximumf %get3A_663, %sub3A_639 : vector<40x128xf32>
      %sub3A_665 = arith.subf %min3A_660, %max3A_664 : vector<40x128xf32>
      %max3A_666 = arith.constant 0.000000e+00 : f32
      %max3A_667 = vector.broadcast %max3A_666 : f32 to vector<40x128xf32>
      %max3A_668 = arith.maximumf %sub3A_665, %max3A_667 : vector<40x128xf32>
      %mul3A_669 = arith.mulf %max3A_656, %max3A_668 : vector<40x128xf32>
      %get3A_670 = arith.constant 0 : index
      %get3A_671 = arith.constant 0 : index
      %get3A_672 = vector.load %arg9[%get3A_670, %get3A_671] : memref<40x128xf32, #tpu.memory_space<vmem>>, vector<40x128xf32>
      %add3A_673 = arith.addf %get3A_672, %mul3A_644 : vector<40x128xf32>
      %sub3A_674 = arith.subf %add3A_673, %mul3A_669 : vector<40x128xf32>
      %max3A_675 = arith.constant 9.99999993E-9 : f32
      %max3A_676 = vector.broadcast %max3A_675 : f32 to vector<40x128xf32>
      %max3A_677 = arith.maximumf %sub3A_674, %max3A_676 : vector<40x128xf32>
      %div3A_678 = arith.divf %mul3A_669, %max3A_677 : vector<40x128xf32>
      %gt3A_679 = vector.broadcast %get3A_0 : f32 to vector<40x128xf32>
      %gt3A_680 = arith.cmpf ogt, %div3A_678, %gt3A_679 : vector<40x128xf32>
      %or3A_681 = arith.ori %gt3A_680, %eq3A_627 : vector<40x128xi1>
      %and3A_682 = vector.broadcast %lt3A_388 : i1 to vector<40x128xi1>
      %and3A_683 = arith.andi %or3A_681, %and3A_682 : vector<40x128xi1>
      %jit3A_684 = arith.constant -1.000000e+09 : f32
      %broadcast_in_dim3A_685 = vector.broadcast %jit3A_684 : f32 to vector<40x128xf32>
      %select_n3A_686 = arith.select %and3A_683, %broadcast_in_dim3A_685, %select_n3A_369 : vector<40x128xi1>, vector<40x128xf32>
      %convert_element_type3A_687 = arith.fptosi %broadcast_in_dim3A_577 : vector<1x1xf32> to vector<1x1xi32>
      %broadcast_in_dim3A_688 = vector.shape_cast %convert_element_type3A_687 : vector<1x1xi32> to vector<1x1xi32>
      %broadcast_in_dim3A_689 = vector.broadcast %broadcast_in_dim3A_688 : vector<1x1xi32> to vector<2x128xi32>
      %eq3A_690 = vector.broadcast %add3A_387 : i32 to vector<2x128xi32>
      %eq3A_691 = arith.cmpi eq, %add3A_59, %eq3A_690 : vector<2x128xi32>
      %and3A_692 = vector.broadcast %lt3A_388 : i1 to vector<2x128xi1>
      %and3A_693 = arith.andi %eq3A_691, %and3A_692 : vector<2x128xi1>
      %get3A_694 = arith.constant 0 : index
      %get3A_695 = arith.constant 0 : index
      %get3A_696 = vector.load %arg4[%get3A_694, %get3A_695] : memref<2x128xi32, #tpu.memory_space<vmem>>, vector<2x128xi32>
      %select_n3A_697 = arith.select %and3A_693, %broadcast_in_dim3A_689, %get3A_696 : vector<2x128xi1>, vector<2x128xi32>
      %swap3A_698 = arith.constant 0 : index
      %swap3A_699 = arith.constant 0 : index
      %swap3A_700 = vector.load %arg4[%swap3A_698, %swap3A_699] : memref<2x128xi32, #tpu.memory_space<vmem>>, vector<2x128xi32>
      tpu.vector_store %arg4[%swap3A_698, %swap3A_699], %select_n3A_697 {strides = array<i32>} : memref<2x128xi32, #tpu.memory_space<vmem>>, vector<2x128xi32>,
      %mul3A_701 = arith.constant 4 : i32
      %mul3A_702 = arith.muli %mul3A_701, %scan3A_79 : i32
      %add3A_703 = arith.constant 2 : i32
      %add3A_704 = arith.addi %mul3A_702, %add3A_703 : i32
      %lt3A_705 = arith.cmpi slt, %add3A_704, %get3A_2 : i32
      %iota3A_706 = tpu.iota {dimensions = array<i32: 0>} : vector<40x128xi32>
      %iota3A_707 = tpu.iota {dimensions = array<i32: 1>} : vector<40x128xi32>
      %mul3A_708 = arith.constant 128 : i32
      %mul3A_709 = vector.broadcast %mul3A_708 : i32 to vector<40x128xi32>
      %mul3A_710 = arith.muli %iota3A_706, %mul3A_709 : vector<40x128xi32>
      %add3A_711 = arith.addi %mul3A_710, %iota3A_707 : vector<40x128xi32>
      %convert_element_type3A_712 = arith.sitofp %add3A_711 : vector<40x128xi32> to vector<40x128xf32>
      %get3A_713 = arith.constant 0 : index
      %get3A_714 = arith.constant 0 : index
      %get3A_715 = arith.constant 0 : index
      %get3A_716 = vector.load %arg0[%get3A_713, %get3A_714, %get3A_715] : memref<4x40x128xf32, #tpu.memory_space<vmem>>, vector<1x40x128xf32>
      %get3A_717 = vector.shape_cast %get3A_716 : vector<1x40x128xf32> to vector<40x128xf32>
      %get3A_718 = arith.constant 1 : index
      %get3A_719 = arith.constant 0 : index
      %get3A_720 = arith.constant 0 : index
      %get3A_721 = vector.load %arg0[%get3A_718, %get3A_719, %get3A_720] : memref<4x40x128xf32, #tpu.memory_space<vmem>>, vector<1x40x128xf32>
      %get3A_722 = vector.shape_cast %get3A_721 : vector<1x40x128xf32> to vector<40x128xf32>
      %get3A_723 = arith.constant 2 : index
      %get3A_724 = arith.constant 0 : index
      %get3A_725 = arith.constant 0 : index
      %get3A_726 = vector.load %arg0[%get3A_723, %get3A_724, %get3A_725] : memref<4x40x128xf32, #tpu.memory_space<vmem>>, vector<1x40x128xf32>
      %get3A_727 = vector.shape_cast %get3A_726 : vector<1x40x128xf32> to vector<40x128xf32>
      %get3A_728 = arith.constant 3 : index
      %get3A_729 = arith.constant 0 : index
      %get3A_730 = arith.constant 0 : index
      %get3A_731 = vector.load %arg0[%get3A_728, %get3A_729, %get3A_730] : memref<4x40x128xf32, #tpu.memory_space<vmem>>, vector<1x40x128xf32>
      %get3A_732 = vector.shape_cast %get3A_731 : vector<1x40x128xf32> to vector<40x128xf32>
      %slice3A_733 = vector.extract_strided_slice %select_n3A_686 {offsets = [0, 0], sizes = [8, 128], strides = [1, 1]} : vector<40x128xf32> to vector<8x128xf32>
      %slice3A_734 = vector.extract_strided_slice %convert_element_type3A_712 {offsets = [0, 0], sizes = [8, 128], strides = [1, 1]} : vector<40x128xf32> to vector<8x128xf32>
      %slice3A_735 = vector.extract_strided_slice %get3A_717 {offsets = [0, 0], sizes = [8, 128], strides = [1, 1]} : vector<40x128xf32> to vector<8x128xf32>
      %slice3A_736 = vector.extract_strided_slice %get3A_722 {offsets = [0, 0], sizes = [8, 128], strides = [1, 1]} : vector<40x128xf32> to vector<8x128xf32>
      %slice3A_737 = vector.extract_strided_slice %get3A_727 {offsets = [0, 0], sizes = [8, 128], strides = [1, 1]} : vector<40x128xf32> to vector<8x128xf32>
      %slice3A_738 = vector.extract_strided_slice %get3A_732 {offsets = [0, 0], sizes = [8, 128], strides = [1, 1]} : vector<40x128xf32> to vector<8x128xf32>
      %slice3A_739 = vector.extract_strided_slice %select_n3A_686 {offsets = [8, 0], sizes = [8, 128], strides = [1, 1]} : vector<40x128xf32> to vector<8x128xf32>
      %slice3A_740 = vector.extract_strided_slice %convert_element_type3A_712 {offsets = [8, 0], sizes = [8, 128], strides = [1, 1]} : vector<40x128xf32> to vector<8x128xf32>
      %slice3A_741 = vector.extract_strided_slice %get3A_717 {offsets = [8, 0], sizes = [8, 128], strides = [1, 1]} : vector<40x128xf32> to vector<8x128xf32>
      %slice3A_742 = vector.extract_strided_slice %get3A_722 {offsets = [8, 0], sizes = [8, 128], strides = [1, 1]} : vector<40x128xf32> to vector<8x128xf32>
      %slice3A_743 = vector.extract_strided_slice %get3A_727 {offsets = [8, 0], sizes = [8, 128], strides = [1, 1]} : vector<40x128xf32> to vector<8x128xf32>
      %slice3A_744 = vector.extract_strided_slice %get3A_732 {offsets = [8, 0], sizes = [8, 128], strides = [1, 1]} : vector<40x128xf32> to vector<8x128xf32>
      %gt3A_745 = arith.cmpf ogt, %slice3A_733, %slice3A_739 : vector<8x128xf32>
      %eq3A_746 = arith.cmpf oeq, %slice3A_733, %slice3A_739 : vector<8x128xf32>
      %lt3A_747 = arith.cmpf olt, %slice3A_734, %slice3A_740 : vector<8x128xf32>
      %and3A_748 = arith.andi %eq3A_746, %lt3A_747 : vector<8x128xi1>
      %or3A_749 = arith.ori %gt3A_745, %and3A_748 : vector<8x128xi1>
      %select_n3A_750 = arith.select %or3A_749, %slice3A_733, %slice3A_739 : vector<8x128xi1>, vector<8x128xf32>
      %select_n3A_751 = arith.select %or3A_749, %slice3A_734, %slice3A_740 : vector<8x128xi1>, vector<8x128xf32>
      %select_n3A_752 = arith.select %or3A_749, %slice3A_735, %slice3A_741 : vector<8x128xi1>, vector<8x128xf32>
      %select_n3A_753 = arith.select %or3A_749, %slice3A_736, %slice3A_742 : vector<8x128xi1>, vector<8x128xf32>
      %select_n3A_754 = arith.select %or3A_749, %slice3A_737, %slice3A_743 : vector<8x128xi1>, vector<8x128xf32>
      %select_n3A_755 = arith.select %or3A_749, %slice3A_738, %slice3A_744 : vector<8x128xi1>, vector<8x128xf32>
      %slice3A_756 = vector.extract_strided_slice %select_n3A_686 {offsets = [16, 0], sizes = [8, 128], strides = [1, 1]} : vector<40x128xf32> to vector<8x128xf32>
      %slice3A_757 = vector.extract_strided_slice %convert_element_type3A_712 {offsets = [16, 0], sizes = [8, 128], strides = [1, 1]} : vector<40x128xf32> to vector<8x128xf32>
      %slice3A_758 = vector.extract_strided_slice %get3A_717 {offsets = [16, 0], sizes = [8, 128], strides = [1, 1]} : vector<40x128xf32> to vector<8x128xf32>
      %slice3A_759 = vector.extract_strided_slice %get3A_722 {offsets = [16, 0], sizes = [8, 128], strides = [1, 1]} : vector<40x128xf32> to vector<8x128xf32>
      %slice3A_760 = vector.extract_strided_slice %get3A_727 {offsets = [16, 0], sizes = [8, 128], strides = [1, 1]} : vector<40x128xf32> to vector<8x128xf32>
      %slice3A_761 = vector.extract_strided_slice %get3A_732 {offsets = [16, 0], sizes = [8, 128], strides = [1, 1]} : vector<40x128xf32> to vector<8x128xf32>
      %gt3A_762 = arith.cmpf ogt, %select_n3A_750, %slice3A_756 : vector<8x128xf32>
      %eq3A_763 = arith.cmpf oeq, %select_n3A_750, %slice3A_756 : vector<8x128xf32>
      %lt3A_764 = arith.cmpf olt, %select_n3A_751, %slice3A_757 : vector<8x128xf32>
      %and3A_765 = arith.andi %eq3A_763, %lt3A_764 : vector<8x128xi1>
      %or3A_766 = arith.ori %gt3A_762, %and3A_765 : vector<8x128xi1>
      %select_n3A_767 = arith.select %or3A_766, %select_n3A_750, %slice3A_756 : vector<8x128xi1>, vector<8x128xf32>
      %select_n3A_768 = arith.select %or3A_766, %select_n3A_751, %slice3A_757 : vector<8x128xi1>, vector<8x128xf32>
      %select_n3A_769 = arith.select %or3A_766, %select_n3A_752, %slice3A_758 : vector<8x128xi1>, vector<8x128xf32>
      %select_n3A_770 = arith.select %or3A_766, %select_n3A_753, %slice3A_759 : vector<8x128xi1>, vector<8x128xf32>
      %select_n3A_771 = arith.select %or3A_766, %select_n3A_754, %slice3A_760 : vector<8x128xi1>, vector<8x128xf32>
      %select_n3A_772 = arith.select %or3A_766, %select_n3A_755, %slice3A_761 : vector<8x128xi1>, vector<8x128xf32>
      %slice3A_773 = vector.extract_strided_slice %select_n3A_686 {offsets = [24, 0], sizes = [8, 128], strides = [1, 1]} : vector<40x128xf32> to vector<8x128xf32>
      %slice3A_774 = vector.extract_strided_slice %convert_element_type3A_712 {offsets = [24, 0], sizes = [8, 128], strides = [1, 1]} : vector<40x128xf32> to vector<8x128xf32>
      %slice3A_775 = vector.extract_strided_slice %get3A_717 {offsets = [24, 0], sizes = [8, 128], strides = [1, 1]} : vector<40x128xf32> to vector<8x128xf32>
      %slice3A_776 = vector.extract_strided_slice %get3A_722 {offsets = [24, 0], sizes = [8, 128], strides = [1, 1]} : vector<40x128xf32> to vector<8x128xf32>
      %slice3A_777 = vector.extract_strided_slice %get3A_727 {offsets = [24, 0], sizes = [8, 128], strides = [1, 1]} : vector<40x128xf32> to vector<8x128xf32>
      %slice3A_778 = vector.extract_strided_slice %get3A_732 {offsets = [24, 0], sizes = [8, 128], strides = [1, 1]} : vector<40x128xf32> to vector<8x128xf32>
      %gt3A_779 = arith.cmpf ogt, %select_n3A_767, %slice3A_773 : vector<8x128xf32>
      %eq3A_780 = arith.cmpf oeq, %select_n3A_767, %slice3A_773 : vector<8x128xf32>
      %lt3A_781 = arith.cmpf olt, %select_n3A_768, %slice3A_774 : vector<8x128xf32>
      %and3A_782 = arith.andi %eq3A_780, %lt3A_781 : vector<8x128xi1>
      %or3A_783 = arith.ori %gt3A_779, %and3A_782 : vector<8x128xi1>
      %select_n3A_784 = arith.select %or3A_783, %select_n3A_767, %slice3A_773 : vector<8x128xi1>, vector<8x128xf32>
      %select_n3A_785 = arith.select %or3A_783, %select_n3A_768, %slice3A_774 : vector<8x128xi1>, vector<8x128xf32>
      %select_n3A_786 = arith.select %or3A_783, %select_n3A_769, %slice3A_775 : vector<8x128xi1>, vector<8x128xf32>
      %select_n3A_787 = arith.select %or3A_783, %select_n3A_770, %slice3A_776 : vector<8x128xi1>, vector<8x128xf32>
      %select_n3A_788 = arith.select %or3A_783, %select_n3A_771, %slice3A_777 : vector<8x128xi1>, vector<8x128xf32>
      %select_n3A_789 = arith.select %or3A_783, %select_n3A_772, %slice3A_778 : vector<8x128xi1>, vector<8x128xf32>
      %slice3A_790 = vector.extract_strided_slice %select_n3A_686 {offsets = [32, 0], sizes = [8, 128], strides = [1, 1]} : vector<40x128xf32> to vector<8x128xf32>
      %slice3A_791 = vector.extract_strided_slice %convert_element_type3A_712 {offsets = [32, 0], sizes = [8, 128], strides = [1, 1]} : vector<40x128xf32> to vector<8x128xf32>
      %slice3A_792 = vector.extract_strided_slice %get3A_717 {offsets = [32, 0], sizes = [8, 128], strides = [1, 1]} : vector<40x128xf32> to vector<8x128xf32>
      %slice3A_793 = vector.extract_strided_slice %get3A_722 {offsets = [32, 0], sizes = [8, 128], strides = [1, 1]} : vector<40x128xf32> to vector<8x128xf32>
      %slice3A_794 = vector.extract_strided_slice %get3A_727 {offsets = [32, 0], sizes = [8, 128], strides = [1, 1]} : vector<40x128xf32> to vector<8x128xf32>
      %slice3A_795 = vector.extract_strided_slice %get3A_732 {offsets = [32, 0], sizes = [8, 128], strides = [1, 1]} : vector<40x128xf32> to vector<8x128xf32>
      %gt3A_796 = arith.cmpf ogt, %select_n3A_784, %slice3A_790 : vector<8x128xf32>
      %eq3A_797 = arith.cmpf oeq, %select_n3A_784, %slice3A_790 : vector<8x128xf32>
      %lt3A_798 = arith.cmpf olt, %select_n3A_785, %slice3A_791 : vector<8x128xf32>
      %and3A_799 = arith.andi %eq3A_797, %lt3A_798 : vector<8x128xi1>
      %or3A_800 = arith.ori %gt3A_796, %and3A_799 : vector<8x128xi1>
      %select_n3A_801 = arith.select %or3A_800, %select_n3A_784, %slice3A_790 : vector<8x128xi1>, vector<8x128xf32>
      %select_n3A_802 = arith.select %or3A_800, %select_n3A_785, %slice3A_791 : vector<8x128xi1>, vector<8x128xf32>
      %select_n3A_803 = arith.select %or3A_800, %select_n3A_786, %slice3A_792 : vector<8x128xi1>, vector<8x128xf32>
      %select_n3A_804 = arith.select %or3A_800, %select_n3A_787, %slice3A_793 : vector<8x128xi1>, vector<8x128xf32>
      %select_n3A_805 = arith.select %or3A_800, %select_n3A_788, %slice3A_794 : vector<8x128xi1>, vector<8x128xf32>
      %select_n3A_806 = arith.select %or3A_800, %select_n3A_789, %slice3A_795 : vector<8x128xi1>, vector<8x128xf32>
      %roll3A_807 = arith.constant 4 : i32
      %roll3A_808 = tpu.dynamic_rotate %select_n3A_801 by %roll3A_807 dim 0 : vector<8x128xf32>, i32 -> vector<8x128xf32>
      %roll3A_809 = arith.constant 4 : i32
      %roll3A_810 = tpu.dynamic_rotate %select_n3A_802 by %roll3A_809 dim 0 : vector<8x128xf32>, i32 -> vector<8x128xf32>
      %roll3A_811 = arith.constant 4 : i32
      %roll3A_812 = tpu.dynamic_rotate %select_n3A_803 by %roll3A_811 dim 0 : vector<8x128xf32>, i32 -> vector<8x128xf32>
      %roll3A_813 = arith.constant 4 : i32
      %roll3A_814 = tpu.dynamic_rotate %select_n3A_804 by %roll3A_813 dim 0 : vector<8x128xf32>, i32 -> vector<8x128xf32>
      %roll3A_815 = arith.constant 4 : i32
      %roll3A_816 = tpu.dynamic_rotate %select_n3A_805 by %roll3A_815 dim 0 : vector<8x128xf32>, i32 -> vector<8x128xf32>
      %roll3A_817 = arith.constant 4 : i32
      %roll3A_818 = tpu.dynamic_rotate %select_n3A_806 by %roll3A_817 dim 0 : vector<8x128xf32>, i32 -> vector<8x128xf32>
      %gt3A_819 = arith.cmpf ogt, %select_n3A_801, %roll3A_808 : vector<8x128xf32>
      %eq3A_820 = arith.cmpf oeq, %select_n3A_801, %roll3A_808 : vector<8x128xf32>
      %lt3A_821 = arith.cmpf olt, %select_n3A_802, %roll3A_810 : vector<8x128xf32>
      %and3A_822 = arith.andi %eq3A_820, %lt3A_821 : vector<8x128xi1>
      %or3A_823 = arith.ori %gt3A_819, %and3A_822 : vector<8x128xi1>
      %select_n3A_824 = arith.select %or3A_823, %select_n3A_801, %roll3A_808 : vector<8x128xi1>, vector<8x128xf32>
      %select_n3A_825 = arith.select %or3A_823, %select_n3A_802, %roll3A_810 : vector<8x128xi1>, vector<8x128xf32>
      %select_n3A_826 = arith.select %or3A_823, %select_n3A_803, %roll3A_812 : vector<8x128xi1>, vector<8x128xf32>
      %select_n3A_827 = arith.select %or3A_823, %select_n3A_804, %roll3A_814 : vector<8x128xi1>, vector<8x128xf32>
      %select_n3A_828 = arith.select %or3A_823, %select_n3A_805, %roll3A_816 : vector<8x128xi1>, vector<8x128xf32>
      %select_n3A_829 = arith.select %or3A_823, %select_n3A_806, %roll3A_818 : vector<8x128xi1>, vector<8x128xf32>
      %roll3A_830 = arith.constant 2 : i32
      %roll3A_831 = tpu.dynamic_rotate %select_n3A_824 by %roll3A_830 dim 0 : vector<8x128xf32>, i32 -> vector<8x128xf32>
      %roll3A_832 = arith.constant 2 : i32
      %roll3A_833 = tpu.dynamic_rotate %select_n3A_825 by %roll3A_832 dim 0 : vector<8x128xf32>, i32 -> vector<8x128xf32>
      %roll3A_834 = arith.constant 2 : i32
      %roll3A_835 = tpu.dynamic_rotate %select_n3A_826 by %roll3A_834 dim 0 : vector<8x128xf32>, i32 -> vector<8x128xf32>
      %roll3A_836 = arith.constant 2 : i32
      %roll3A_837 = tpu.dynamic_rotate %select_n3A_827 by %roll3A_836 dim 0 : vector<8x128xf32>, i32 -> vector<8x128xf32>
      %roll3A_838 = arith.constant 2 : i32
      %roll3A_839 = tpu.dynamic_rotate %select_n3A_828 by %roll3A_838 dim 0 : vector<8x128xf32>, i32 -> vector<8x128xf32>
      %roll3A_840 = arith.constant 2 : i32
      %roll3A_841 = tpu.dynamic_rotate %select_n3A_829 by %roll3A_840 dim 0 : vector<8x128xf32>, i32 -> vector<8x128xf32>
      %gt3A_842 = arith.cmpf ogt, %select_n3A_824, %roll3A_831 : vector<8x128xf32>
      %eq3A_843 = arith.cmpf oeq, %select_n3A_824, %roll3A_831 : vector<8x128xf32>
      %lt3A_844 = arith.cmpf olt, %select_n3A_825, %roll3A_833 : vector<8x128xf32>
      %and3A_845 = arith.andi %eq3A_843, %lt3A_844 : vector<8x128xi1>
      %or3A_846 = arith.ori %gt3A_842, %and3A_845 : vector<8x128xi1>
      %select_n3A_847 = arith.select %or3A_846, %select_n3A_824, %roll3A_831 : vector<8x128xi1>, vector<8x128xf32>
      %select_n3A_848 = arith.select %or3A_846, %select_n3A_825, %roll3A_833 : vector<8x128xi1>, vector<8x128xf32>
      %select_n3A_849 = arith.select %or3A_846, %select_n3A_826, %roll3A_835 : vector<8x128xi1>, vector<8x128xf32>
      %select_n3A_850 = arith.select %or3A_846, %select_n3A_827, %roll3A_837 : vector<8x128xi1>, vector<8x128xf32>
      %select_n3A_851 = arith.select %or3A_846, %select_n3A_828, %roll3A_839 : vector<8x128xi1>, vector<8x128xf32>
      %select_n3A_852 = arith.select %or3A_846, %select_n3A_829, %roll3A_841 : vector<8x128xi1>, vector<8x128xf32>
      %roll3A_853 = arith.constant 1 : i32
      %roll3A_854 = tpu.dynamic_rotate %select_n3A_847 by %roll3A_853 dim 0 : vector<8x128xf32>, i32 -> vector<8x128xf32>
      %roll3A_855 = arith.constant 1 : i32
      %roll3A_856 = tpu.dynamic_rotate %select_n3A_848 by %roll3A_855 dim 0 : vector<8x128xf32>, i32 -> vector<8x128xf32>
      %roll3A_857 = arith.constant 1 : i32
      %roll3A_858 = tpu.dynamic_rotate %select_n3A_849 by %roll3A_857 dim 0 : vector<8x128xf32>, i32 -> vector<8x128xf32>
      %roll3A_859 = arith.constant 1 : i32
      %roll3A_860 = tpu.dynamic_rotate %select_n3A_850 by %roll3A_859 dim 0 : vector<8x128xf32>, i32 -> vector<8x128xf32>
      %roll3A_861 = arith.constant 1 : i32
      %roll3A_862 = tpu.dynamic_rotate %select_n3A_851 by %roll3A_861 dim 0 : vector<8x128xf32>, i32 -> vector<8x128xf32>
      %roll3A_863 = arith.constant 1 : i32
      %roll3A_864 = tpu.dynamic_rotate %select_n3A_852 by %roll3A_863 dim 0 : vector<8x128xf32>, i32 -> vector<8x128xf32>
      %gt3A_865 = arith.cmpf ogt, %select_n3A_847, %roll3A_854 : vector<8x128xf32>
      %eq3A_866 = arith.cmpf oeq, %select_n3A_847, %roll3A_854 : vector<8x128xf32>
      %lt3A_867 = arith.cmpf olt, %select_n3A_848, %roll3A_856 : vector<8x128xf32>
      %and3A_868 = arith.andi %eq3A_866, %lt3A_867 : vector<8x128xi1>
      %or3A_869 = arith.ori %gt3A_865, %and3A_868 : vector<8x128xi1>
      %select_n3A_870 = arith.select %or3A_869, %select_n3A_847, %roll3A_854 : vector<8x128xi1>, vector<8x128xf32>
      %select_n3A_871 = arith.select %or3A_869, %select_n3A_848, %roll3A_856 : vector<8x128xi1>, vector<8x128xf32>
      %select_n3A_872 = arith.select %or3A_869, %select_n3A_849, %roll3A_858 : vector<8x128xi1>, vector<8x128xf32>
      %select_n3A_873 = arith.select %or3A_869, %select_n3A_850, %roll3A_860 : vector<8x128xi1>, vector<8x128xf32>
      %select_n3A_874 = arith.select %or3A_869, %select_n3A_851, %roll3A_862 : vector<8x128xi1>, vector<8x128xf32>
      %select_n3A_875 = arith.select %or3A_869, %select_n3A_852, %roll3A_864 : vector<8x128xi1>, vector<8x128xf32>
      %slice3A_876 = vector.extract_strided_slice %select_n3A_870 {offsets = [0, 0], sizes = [1, 128], strides = [1, 1]} : vector<8x128xf32> to vector<1x128xf32>
      %slice3A_877 = vector.extract_strided_slice %select_n3A_871 {offsets = [0, 0], sizes = [1, 128], strides = [1, 1]} : vector<8x128xf32> to vector<1x128xf32>
      %reduce_max3A_878 = vector.shape_cast %slice3A_876 : vector<1x128xf32> to vector<1x1x128xf32>
      %reduce_max3A_879 = arith.constant dense<0xFF800000> : vector<1xf32>
      %reduce_max3A_880 = vector.multi_reduction <maximumf>, %reduce_max3A_878, %reduce_max3A_879 [1, 2] : vector<1x1x128xf32> to vector<1xf32>
      %reduce_max3A_881 = vector.shape_cast %reduce_max3A_880 : vector<1xf32> to vector<1x1x1xf32>
      %reduce_max3A_882 = vector.extract %reduce_max3A_881[0, 0, 0] : f32 from vector<1x1x1xf32>
      %broadcast_in_dim3A_883 = vector.broadcast %reduce_max3A_882 : f32 to vector<1x1xf32>
      %broadcast_in_dim3A_884 = vector.shape_cast %broadcast_in_dim3A_883 : vector<1x1xf32> to vector<1x1xf32>
      %broadcast_in_dim3A_885 = vector.broadcast %broadcast_in_dim3A_884 : vector<1x1xf32> to vector<1x128xf32>
      %eq3A_886 = arith.cmpf oeq, %slice3A_876, %broadcast_in_dim3A_885 : vector<1x128xf32>
      %broadcast_in_dim3A_887 = vector.broadcast %scan3A : f32 to vector<1x128xf32>
      %select_n3A_888 = arith.select %eq3A_886, %slice3A_877, %broadcast_in_dim3A_887 : vector<1x128xi1>, vector<1x128xf32>
      %reduce_min3A_889 = vector.shape_cast %select_n3A_888 : vector<1x128xf32> to vector<1x1x128xf32>
      %reduce_min3A_890 = arith.constant dense<0x7F800000> : vector<1xf32>
      %reduce_min3A_891 = vector.multi_reduction <minimumf>, %reduce_min3A_889, %reduce_min3A_890 [1, 2] : vector<1x1x128xf32> to vector<1xf32>
      %reduce_min3A_892 = vector.shape_cast %reduce_min3A_891 : vector<1xf32> to vector<1x1x1xf32>
      %reduce_min3A_893 = vector.extract %reduce_min3A_892[0, 0, 0] : f32 from vector<1x1x1xf32>
      %broadcast_in_dim3A_894 = vector.broadcast %reduce_min3A_893 : f32 to vector<1x1xf32>
      %broadcast_in_dim3A_895 = vector.shape_cast %broadcast_in_dim3A_894 : vector<1x1xf32> to vector<1x1xf32>
      %broadcast_in_dim3A_896 = vector.broadcast %broadcast_in_dim3A_895 : vector<1x1xf32> to vector<1x128xf32>
      %eq3A_897 = arith.cmpf oeq, %slice3A_877, %broadcast_in_dim3A_896 : vector<1x128xf32>
      %slice3A_898 = vector.extract_strided_slice %select_n3A_872 {offsets = [0, 0], sizes = [1, 128], strides = [1, 1]} : vector<8x128xf32> to vector<1x128xf32>
      %broadcast_in_dim3A_899 = vector.broadcast %scan3A_72 : f32 to vector<1x128xf32>
      %select_n3A_900 = arith.select %eq3A_897, %slice3A_898, %broadcast_in_dim3A_899 : vector<1x128xi1>, vector<1x128xf32>
      %reduce_max3A_901 = vector.shape_cast %select_n3A_900 : vector<1x128xf32> to vector<1x1x128xf32>
      %reduce_max3A_902 = arith.constant dense<0xFF800000> : vector<1xf32>
      %reduce_max3A_903 = vector.multi_reduction <maximumf>, %reduce_max3A_901, %reduce_max3A_902 [1, 2] : vector<1x1x128xf32> to vector<1xf32>
      %reduce_max3A_904 = vector.shape_cast %reduce_max3A_903 : vector<1xf32> to vector<1x1x1xf32>
      %reduce_max3A_905 = vector.extract %reduce_max3A_904[0, 0, 0] : f32 from vector<1x1x1xf32>
      %broadcast_in_dim3A_906 = vector.broadcast %reduce_max3A_905 : f32 to vector<1x1xf32>
      %broadcast_in_dim3A_907 = vector.shape_cast %broadcast_in_dim3A_906 : vector<1x1xf32> to vector<1x1xf32>
      %broadcast_in_dim3A_908 = vector.broadcast %broadcast_in_dim3A_907 : vector<1x1xf32> to vector<40x128xf32>
      %slice3A_909 = vector.extract_strided_slice %select_n3A_873 {offsets = [0, 0], sizes = [1, 128], strides = [1, 1]} : vector<8x128xf32> to vector<1x128xf32>
      %broadcast_in_dim3A_910 = vector.broadcast %scan3A_72 : f32 to vector<1x128xf32>
      %select_n3A_911 = arith.select %eq3A_897, %slice3A_909, %broadcast_in_dim3A_910 : vector<1x128xi1>, vector<1x128xf32>
      %reduce_max3A_912 = vector.shape_cast %select_n3A_911 : vector<1x128xf32> to vector<1x1x128xf32>
      %reduce_max3A_913 = arith.constant dense<0xFF800000> : vector<1xf32>
      %reduce_max3A_914 = vector.multi_reduction <maximumf>, %reduce_max3A_912, %reduce_max3A_913 [1, 2] : vector<1x1x128xf32> to vector<1xf32>
      %reduce_max3A_915 = vector.shape_cast %reduce_max3A_914 : vector<1xf32> to vector<1x1x1xf32>
      %reduce_max3A_916 = vector.extract %reduce_max3A_915[0, 0, 0] : f32 from vector<1x1x1xf32>
      %broadcast_in_dim3A_917 = vector.broadcast %reduce_max3A_916 : f32 to vector<1x1xf32>
      %broadcast_in_dim3A_918 = vector.shape_cast %broadcast_in_dim3A_917 : vector<1x1xf32> to vector<1x1xf32>
      %broadcast_in_dim3A_919 = vector.broadcast %broadcast_in_dim3A_918 : vector<1x1xf32> to vector<40x128xf32>
      %slice3A_920 = vector.extract_strided_slice %select_n3A_874 {offsets = [0, 0], sizes = [1, 128], strides = [1, 1]} : vector<8x128xf32> to vector<1x128xf32>
      %broadcast_in_dim3A_921 = vector.broadcast %scan3A_72 : f32 to vector<1x128xf32>
      %select_n3A_922 = arith.select %eq3A_897, %slice3A_920, %broadcast_in_dim3A_921 : vector<1x128xi1>, vector<1x128xf32>
      %reduce_max3A_923 = vector.shape_cast %select_n3A_922 : vector<1x128xf32> to vector<1x1x128xf32>
      %reduce_max3A_924 = arith.constant dense<0xFF800000> : vector<1xf32>
      %reduce_max3A_925 = vector.multi_reduction <maximumf>, %reduce_max3A_923, %reduce_max3A_924 [1, 2] : vector<1x1x128xf32> to vector<1xf32>
      %reduce_max3A_926 = vector.shape_cast %reduce_max3A_925 : vector<1xf32> to vector<1x1x1xf32>
      %reduce_max3A_927 = vector.extract %reduce_max3A_926[0, 0, 0] : f32 from vector<1x1x1xf32>
      %broadcast_in_dim3A_928 = vector.broadcast %reduce_max3A_927 : f32 to vector<1x1xf32>
      %broadcast_in_dim3A_929 = vector.shape_cast %broadcast_in_dim3A_928 : vector<1x1xf32> to vector<1x1xf32>
      %broadcast_in_dim3A_930 = vector.broadcast %broadcast_in_dim3A_929 : vector<1x1xf32> to vector<40x128xf32>
      %slice3A_931 = vector.extract_strided_slice %select_n3A_875 {offsets = [0, 0], sizes = [1, 128], strides = [1, 1]} : vector<8x128xf32> to vector<1x128xf32>
      %broadcast_in_dim3A_932 = vector.broadcast %scan3A_72 : f32 to vector<1x128xf32>
      %select_n3A_933 = arith.select %eq3A_897, %slice3A_931, %broadcast_in_dim3A_932 : vector<1x128xi1>, vector<1x128xf32>
      %reduce_max3A_934 = vector.shape_cast %select_n3A_933 : vector<1x128xf32> to vector<1x1x128xf32>
      %reduce_max3A_935 = arith.constant dense<0xFF800000> : vector<1xf32>
      %reduce_max3A_936 = vector.multi_reduction <maximumf>, %reduce_max3A_934, %reduce_max3A_935 [1, 2] : vector<1x1x128xf32> to vector<1xf32>
      %reduce_max3A_937 = vector.shape_cast %reduce_max3A_936 : vector<1xf32> to vector<1x1x1xf32>
      %reduce_max3A_938 = vector.extract %reduce_max3A_937[0, 0, 0] : f32 from vector<1x1x1xf32>
      %broadcast_in_dim3A_939 = vector.broadcast %reduce_max3A_938 : f32 to vector<1x1xf32>
      %broadcast_in_dim3A_940 = vector.shape_cast %broadcast_in_dim3A_939 : vector<1x1xf32> to vector<1x1xf32>
      %broadcast_in_dim3A_941 = vector.broadcast %broadcast_in_dim3A_940 : vector<1x1xf32> to vector<40x128xf32>
      %broadcast_in_dim3A_942 = vector.shape_cast %broadcast_in_dim3A_894 : vector<1x1xf32> to vector<1x1xf32>
      %broadcast_in_dim3A_943 = vector.broadcast %broadcast_in_dim3A_942 : vector<1x1xf32> to vector<40x128xf32>
      %eq3A_944 = arith.cmpf oeq, %convert_element_type3A_712, %broadcast_in_dim3A_943 : vector<40x128xf32>
      %mul3A_945 = arith.constant 5.000000e-01 : f32
      %mul3A_946 = vector.broadcast %mul3A_945 : f32 to vector<40x128xf32>
      %mul3A_947 = arith.mulf %mul3A_946, %broadcast_in_dim3A_930 : vector<40x128xf32>
      %sub3A_948 = arith.subf %broadcast_in_dim3A_908, %mul3A_947 : vector<40x128xf32>
      %mul3A_949 = arith.constant 5.000000e-01 : f32
      %mul3A_950 = vector.broadcast %mul3A_949 : f32 to vector<40x128xf32>
      %mul3A_951 = arith.mulf %mul3A_950, %broadcast_in_dim3A_930 : vector<40x128xf32>
      %add3A_952 = arith.addf %broadcast_in_dim3A_908, %mul3A_951 : vector<40x128xf32>
      %mul3A_953 = arith.constant 5.000000e-01 : f32
      %mul3A_954 = vector.broadcast %mul3A_953 : f32 to vector<40x128xf32>
      %mul3A_955 = arith.mulf %mul3A_954, %broadcast_in_dim3A_941 : vector<40x128xf32>
      %sub3A_956 = arith.subf %broadcast_in_dim3A_919, %mul3A_955 : vector<40x128xf32>
      %mul3A_957 = arith.constant 5.000000e-01 : f32
      %mul3A_958 = vector.broadcast %mul3A_957 : f32 to vector<40x128xf32>
      %mul3A_959 = arith.mulf %mul3A_958, %broadcast_in_dim3A_941 : vector<40x128xf32>
      %add3A_960 = arith.addf %broadcast_in_dim3A_919, %mul3A_959 : vector<40x128xf32>
      %mul3A_961 = arith.mulf %broadcast_in_dim3A_930, %broadcast_in_dim3A_941 : vector<40x128xf32>
      %get3A_962 = arith.constant 0 : index
      %get3A_963 = arith.constant 0 : index
      %get3A_964 = vector.load %arg6[%get3A_962, %get3A_963] : memref<40x128xf32, #tpu.memory_space<vmem>>, vector<40x128xf32>
      %min3A_965 = arith.minimumf %get3A_964, %add3A_952 : vector<40x128xf32>
      %get3A_966 = arith.constant 0 : index
      %get3A_967 = arith.constant 0 : index
      %get3A_968 = vector.load %arg5[%get3A_966, %get3A_967] : memref<40x128xf32, #tpu.memory_space<vmem>>, vector<40x128xf32>
      %max3A_969 = arith.maximumf %get3A_968, %sub3A_948 : vector<40x128xf32>
      %sub3A_970 = arith.subf %min3A_965, %max3A_969 : vector<40x128xf32>
      %max3A_971 = arith.constant 0.000000e+00 : f32
      %max3A_972 = vector.broadcast %max3A_971 : f32 to vector<40x128xf32>
      %max3A_973 = arith.maximumf %sub3A_970, %max3A_972 : vector<40x128xf32>
      %get3A_974 = arith.constant 0 : index
      %get3A_975 = arith.constant 0 : index
      %get3A_976 = vector.load %arg8[%get3A_974, %get3A_975] : memref<40x128xf32, #tpu.memory_space<vmem>>, vector<40x128xf32>
      %min3A_977 = arith.minimumf %get3A_976, %add3A_960 : vector<40x128xf32>
      %get3A_978 = arith.constant 0 : index
      %get3A_979 = arith.constant 0 : index
      %get3A_980 = vector.load %arg7[%get3A_978, %get3A_979] : memref<40x128xf32, #tpu.memory_space<vmem>>, vector<40x128xf32>
      %max3A_981 = arith.maximumf %get3A_980, %sub3A_956 : vector<40x128xf32>
      %sub3A_982 = arith.subf %min3A_977, %max3A_981 : vector<40x128xf32>
      %max3A_983 = arith.constant 0.000000e+00 : f32
      %max3A_984 = vector.broadcast %max3A_983 : f32 to vector<40x128xf32>
      %max3A_985 = arith.maximumf %sub3A_982, %max3A_984 : vector<40x128xf32>
      %mul3A_986 = arith.mulf %max3A_973, %max3A_985 : vector<40x128xf32>
      %get3A_987 = arith.constant 0 : index
      %get3A_988 = arith.constant 0 : index
      %get3A_989 = vector.load %arg9[%get3A_987, %get3A_988] : memref<40x128xf32, #tpu.memory_space<vmem>>, vector<40x128xf32>
      %add3A_990 = arith.addf %get3A_989, %mul3A_961 : vector<40x128xf32>
      %sub3A_991 = arith.subf %add3A_990, %mul3A_986 : vector<40x128xf32>
      %max3A_992 = arith.constant 9.99999993E-9 : f32
      %max3A_993 = vector.broadcast %max3A_992 : f32 to vector<40x128xf32>
      %max3A_994 = arith.maximumf %sub3A_991, %max3A_993 : vector<40x128xf32>
      %div3A_995 = arith.divf %mul3A_986, %max3A_994 : vector<40x128xf32>
      %gt3A_996 = vector.broadcast %get3A_0 : f32 to vector<40x128xf32>
      %gt3A_997 = arith.cmpf ogt, %div3A_995, %gt3A_996 : vector<40x128xf32>
      %or3A_998 = arith.ori %gt3A_997, %eq3A_944 : vector<40x128xi1>
      %and3A_999 = vector.broadcast %lt3A_705 : i1 to vector<40x128xi1>
      %and3A_1000 = arith.andi %or3A_998, %and3A_999 : vector<40x128xi1>
      %jit3A_1001 = arith.constant -1.000000e+09 : f32
      %broadcast_in_dim3A_1002 = vector.broadcast %jit3A_1001 : f32 to vector<40x128xf32>
      %select_n3A_1003 = arith.select %and3A_1000, %broadcast_in_dim3A_1002, %select_n3A_686 : vector<40x128xi1>, vector<40x128xf32>
      %convert_element_type3A_1004 = arith.fptosi %broadcast_in_dim3A_894 : vector<1x1xf32> to vector<1x1xi32>
      %broadcast_in_dim3A_1005 = vector.shape_cast %convert_element_type3A_1004 : vector<1x1xi32> to vector<1x1xi32>
      %broadcast_in_dim3A_1006 = vector.broadcast %broadcast_in_dim3A_1005 : vector<1x1xi32> to vector<2x128xi32>
      %eq3A_1007 = vector.broadcast %add3A_704 : i32 to vector<2x128xi32>
      %eq3A_1008 = arith.cmpi eq, %add3A_59, %eq3A_1007 : vector<2x128xi32>
      %and3A_1009 = vector.broadcast %lt3A_705 : i1 to vector<2x128xi1>
      %and3A_1010 = arith.andi %eq3A_1008, %and3A_1009 : vector<2x128xi1>
      %get3A_1011 = arith.constant 0 : index
      %get3A_1012 = arith.constant 0 : index
      %get3A_1013 = vector.load %arg4[%get3A_1011, %get3A_1012] : memref<2x128xi32, #tpu.memory_space<vmem>>, vector<2x128xi32>
      %select_n3A_1014 = arith.select %and3A_1010, %broadcast_in_dim3A_1006, %get3A_1013 : vector<2x128xi1>, vector<2x128xi32>
      %swap3A_1015 = arith.constant 0 : index
      %swap3A_1016 = arith.constant 0 : index
      %swap3A_1017 = vector.load %arg4[%swap3A_1015, %swap3A_1016] : memref<2x128xi32, #tpu.memory_space<vmem>>, vector<2x128xi32>
      tpu.vector_store %arg4[%swap3A_1015, %swap3A_1016], %select_n3A_1014 {strides = array<i32>} : memref<2x128xi32, #tpu.memory_space<vmem>>, vector<2x128xi32>,
      %mul3A_1018 = arith.constant 4 : i32
      %mul3A_1019 = arith.muli %mul3A_1018, %scan3A_79 : i32
      %add3A_1020 = arith.constant 3 : i32
      %add3A_1021 = arith.addi %mul3A_1019, %add3A_1020 : i32
      %lt3A_1022 = arith.cmpi slt, %add3A_1021, %get3A_2 : i32
      %iota3A_1023 = tpu.iota {dimensions = array<i32: 0>} : vector<40x128xi32>
      %iota3A_1024 = tpu.iota {dimensions = array<i32: 1>} : vector<40x128xi32>
      %mul3A_1025 = arith.constant 128 : i32
      %mul3A_1026 = vector.broadcast %mul3A_1025 : i32 to vector<40x128xi32>
      %mul3A_1027 = arith.muli %iota3A_1023, %mul3A_1026 : vector<40x128xi32>
      %add3A_1028 = arith.addi %mul3A_1027, %iota3A_1024 : vector<40x128xi32>
      %convert_element_type3A_1029 = arith.sitofp %add3A_1028 : vector<40x128xi32> to vector<40x128xf32>
      %get3A_1030 = arith.constant 0 : index
      %get3A_1031 = arith.constant 0 : index
      %get3A_1032 = arith.constant 0 : index
      %get3A_1033 = vector.load %arg0[%get3A_1030, %get3A_1031, %get3A_1032] : memref<4x40x128xf32, #tpu.memory_space<vmem>>, vector<1x40x128xf32>
      %get3A_1034 = vector.shape_cast %get3A_1033 : vector<1x40x128xf32> to vector<40x128xf32>
      %get3A_1035 = arith.constant 1 : index
      %get3A_1036 = arith.constant 0 : index
      %get3A_1037 = arith.constant 0 : index
      %get3A_1038 = vector.load %arg0[%get3A_1035, %get3A_1036, %get3A_1037] : memref<4x40x128xf32, #tpu.memory_space<vmem>>, vector<1x40x128xf32>
      %get3A_1039 = vector.shape_cast %get3A_1038 : vector<1x40x128xf32> to vector<40x128xf32>
      %get3A_1040 = arith.constant 2 : index
      %get3A_1041 = arith.constant 0 : index
      %get3A_1042 = arith.constant 0 : index
      %get3A_1043 = vector.load %arg0[%get3A_1040, %get3A_1041, %get3A_1042] : memref<4x40x128xf32, #tpu.memory_space<vmem>>, vector<1x40x128xf32>
      %get3A_1044 = vector.shape_cast %get3A_1043 : vector<1x40x128xf32> to vector<40x128xf32>
      %get3A_1045 = arith.constant 3 : index
      %get3A_1046 = arith.constant 0 : index
      %get3A_1047 = arith.constant 0 : index
      %get3A_1048 = vector.load %arg0[%get3A_1045, %get3A_1046, %get3A_1047] : memref<4x40x128xf32, #tpu.memory_space<vmem>>, vector<1x40x128xf32>
      %get3A_1049 = vector.shape_cast %get3A_1048 : vector<1x40x128xf32> to vector<40x128xf32>
      %slice3A_1050 = vector.extract_strided_slice %select_n3A_1003 {offsets = [0, 0], sizes = [8, 128], strides = [1, 1]} : vector<40x128xf32> to vector<8x128xf32>
      %slice3A_1051 = vector.extract_strided_slice %convert_element_type3A_1029 {offsets = [0, 0], sizes = [8, 128], strides = [1, 1]} : vector<40x128xf32> to vector<8x128xf32>
      %slice3A_1052 = vector.extract_strided_slice %get3A_1034 {offsets = [0, 0], sizes = [8, 128], strides = [1, 1]} : vector<40x128xf32> to vector<8x128xf32>
      %slice3A_1053 = vector.extract_strided_slice %get3A_1039 {offsets = [0, 0], sizes = [8, 128], strides = [1, 1]} : vector<40x128xf32> to vector<8x128xf32>
      %slice3A_1054 = vector.extract_strided_slice %get3A_1044 {offsets = [0, 0], sizes = [8, 128], strides = [1, 1]} : vector<40x128xf32> to vector<8x128xf32>
      %slice3A_1055 = vector.extract_strided_slice %get3A_1049 {offsets = [0, 0], sizes = [8, 128], strides = [1, 1]} : vector<40x128xf32> to vector<8x128xf32>
      %slice3A_1056 = vector.extract_strided_slice %select_n3A_1003 {offsets = [8, 0], sizes = [8, 128], strides = [1, 1]} : vector<40x128xf32> to vector<8x128xf32>
      %slice3A_1057 = vector.extract_strided_slice %convert_element_type3A_1029 {offsets = [8, 0], sizes = [8, 128], strides = [1, 1]} : vector<40x128xf32> to vector<8x128xf32>
      %slice3A_1058 = vector.extract_strided_slice %get3A_1034 {offsets = [8, 0], sizes = [8, 128], strides = [1, 1]} : vector<40x128xf32> to vector<8x128xf32>
      %slice3A_1059 = vector.extract_strided_slice %get3A_1039 {offsets = [8, 0], sizes = [8, 128], strides = [1, 1]} : vector<40x128xf32> to vector<8x128xf32>
      %slice3A_1060 = vector.extract_strided_slice %get3A_1044 {offsets = [8, 0], sizes = [8, 128], strides = [1, 1]} : vector<40x128xf32> to vector<8x128xf32>
      %slice3A_1061 = vector.extract_strided_slice %get3A_1049 {offsets = [8, 0], sizes = [8, 128], strides = [1, 1]} : vector<40x128xf32> to vector<8x128xf32>
      %gt3A_1062 = arith.cmpf ogt, %slice3A_1050, %slice3A_1056 : vector<8x128xf32>
      %eq3A_1063 = arith.cmpf oeq, %slice3A_1050, %slice3A_1056 : vector<8x128xf32>
      %lt3A_1064 = arith.cmpf olt, %slice3A_1051, %slice3A_1057 : vector<8x128xf32>
      %and3A_1065 = arith.andi %eq3A_1063, %lt3A_1064 : vector<8x128xi1>
      %or3A_1066 = arith.ori %gt3A_1062, %and3A_1065 : vector<8x128xi1>
      %select_n3A_1067 = arith.select %or3A_1066, %slice3A_1050, %slice3A_1056 : vector<8x128xi1>, vector<8x128xf32>
      %select_n3A_1068 = arith.select %or3A_1066, %slice3A_1051, %slice3A_1057 : vector<8x128xi1>, vector<8x128xf32>
      %select_n3A_1069 = arith.select %or3A_1066, %slice3A_1052, %slice3A_1058 : vector<8x128xi1>, vector<8x128xf32>
      %select_n3A_1070 = arith.select %or3A_1066, %slice3A_1053, %slice3A_1059 : vector<8x128xi1>, vector<8x128xf32>
      %select_n3A_1071 = arith.select %or3A_1066, %slice3A_1054, %slice3A_1060 : vector<8x128xi1>, vector<8x128xf32>
      %select_n3A_1072 = arith.select %or3A_1066, %slice3A_1055, %slice3A_1061 : vector<8x128xi1>, vector<8x128xf32>
      %slice3A_1073 = vector.extract_strided_slice %select_n3A_1003 {offsets = [16, 0], sizes = [8, 128], strides = [1, 1]} : vector<40x128xf32> to vector<8x128xf32>
      %slice3A_1074 = vector.extract_strided_slice %convert_element_type3A_1029 {offsets = [16, 0], sizes = [8, 128], strides = [1, 1]} : vector<40x128xf32> to vector<8x128xf32>
      %slice3A_1075 = vector.extract_strided_slice %get3A_1034 {offsets = [16, 0], sizes = [8, 128], strides = [1, 1]} : vector<40x128xf32> to vector<8x128xf32>
      %slice3A_1076 = vector.extract_strided_slice %get3A_1039 {offsets = [16, 0], sizes = [8, 128], strides = [1, 1]} : vector<40x128xf32> to vector<8x128xf32>
      %slice3A_1077 = vector.extract_strided_slice %get3A_1044 {offsets = [16, 0], sizes = [8, 128], strides = [1, 1]} : vector<40x128xf32> to vector<8x128xf32>
      %slice3A_1078 = vector.extract_strided_slice %get3A_1049 {offsets = [16, 0], sizes = [8, 128], strides = [1, 1]} : vector<40x128xf32> to vector<8x128xf32>
      %gt3A_1079 = arith.cmpf ogt, %select_n3A_1067, %slice3A_1073 : vector<8x128xf32>
      %eq3A_1080 = arith.cmpf oeq, %select_n3A_1067, %slice3A_1073 : vector<8x128xf32>
      %lt3A_1081 = arith.cmpf olt, %select_n3A_1068, %slice3A_1074 : vector<8x128xf32>
      %and3A_1082 = arith.andi %eq3A_1080, %lt3A_1081 : vector<8x128xi1>
      %or3A_1083 = arith.ori %gt3A_1079, %and3A_1082 : vector<8x128xi1>
      %select_n3A_1084 = arith.select %or3A_1083, %select_n3A_1067, %slice3A_1073 : vector<8x128xi1>, vector<8x128xf32>
      %select_n3A_1085 = arith.select %or3A_1083, %select_n3A_1068, %slice3A_1074 : vector<8x128xi1>, vector<8x128xf32>
      %select_n3A_1086 = arith.select %or3A_1083, %select_n3A_1069, %slice3A_1075 : vector<8x128xi1>, vector<8x128xf32>
      %select_n3A_1087 = arith.select %or3A_1083, %select_n3A_1070, %slice3A_1076 : vector<8x128xi1>, vector<8x128xf32>
      %select_n3A_1088 = arith.select %or3A_1083, %select_n3A_1071, %slice3A_1077 : vector<8x128xi1>, vector<8x128xf32>
      %select_n3A_1089 = arith.select %or3A_1083, %select_n3A_1072, %slice3A_1078 : vector<8x128xi1>, vector<8x128xf32>
      %slice3A_1090 = vector.extract_strided_slice %select_n3A_1003 {offsets = [24, 0], sizes = [8, 128], strides = [1, 1]} : vector<40x128xf32> to vector<8x128xf32>
      %slice3A_1091 = vector.extract_strided_slice %convert_element_type3A_1029 {offsets = [24, 0], sizes = [8, 128], strides = [1, 1]} : vector<40x128xf32> to vector<8x128xf32>
      %slice3A_1092 = vector.extract_strided_slice %get3A_1034 {offsets = [24, 0], sizes = [8, 128], strides = [1, 1]} : vector<40x128xf32> to vector<8x128xf32>
      %slice3A_1093 = vector.extract_strided_slice %get3A_1039 {offsets = [24, 0], sizes = [8, 128], strides = [1, 1]} : vector<40x128xf32> to vector<8x128xf32>
      %slice3A_1094 = vector.extract_strided_slice %get3A_1044 {offsets = [24, 0], sizes = [8, 128], strides = [1, 1]} : vector<40x128xf32> to vector<8x128xf32>
      %slice3A_1095 = vector.extract_strided_slice %get3A_1049 {offsets = [24, 0], sizes = [8, 128], strides = [1, 1]} : vector<40x128xf32> to vector<8x128xf32>
      %gt3A_1096 = arith.cmpf ogt, %select_n3A_1084, %slice3A_1090 : vector<8x128xf32>
      %eq3A_1097 = arith.cmpf oeq, %select_n3A_1084, %slice3A_1090 : vector<8x128xf32>
      %lt3A_1098 = arith.cmpf olt, %select_n3A_1085, %slice3A_1091 : vector<8x128xf32>
      %and3A_1099 = arith.andi %eq3A_1097, %lt3A_1098 : vector<8x128xi1>
      %or3A_1100 = arith.ori %gt3A_1096, %and3A_1099 : vector<8x128xi1>
      %select_n3A_1101 = arith.select %or3A_1100, %select_n3A_1084, %slice3A_1090 : vector<8x128xi1>, vector<8x128xf32>
      %select_n3A_1102 = arith.select %or3A_1100, %select_n3A_1085, %slice3A_1091 : vector<8x128xi1>, vector<8x128xf32>
      %select_n3A_1103 = arith.select %or3A_1100, %select_n3A_1086, %slice3A_1092 : vector<8x128xi1>, vector<8x128xf32>
      %select_n3A_1104 = arith.select %or3A_1100, %select_n3A_1087, %slice3A_1093 : vector<8x128xi1>, vector<8x128xf32>
      %select_n3A_1105 = arith.select %or3A_1100, %select_n3A_1088, %slice3A_1094 : vector<8x128xi1>, vector<8x128xf32>
      %select_n3A_1106 = arith.select %or3A_1100, %select_n3A_1089, %slice3A_1095 : vector<8x128xi1>, vector<8x128xf32>
      %slice3A_1107 = vector.extract_strided_slice %select_n3A_1003 {offsets = [32, 0], sizes = [8, 128], strides = [1, 1]} : vector<40x128xf32> to vector<8x128xf32>
      %slice3A_1108 = vector.extract_strided_slice %convert_element_type3A_1029 {offsets = [32, 0], sizes = [8, 128], strides = [1, 1]} : vector<40x128xf32> to vector<8x128xf32>
      %slice3A_1109 = vector.extract_strided_slice %get3A_1034 {offsets = [32, 0], sizes = [8, 128], strides = [1, 1]} : vector<40x128xf32> to vector<8x128xf32>
      %slice3A_1110 = vector.extract_strided_slice %get3A_1039 {offsets = [32, 0], sizes = [8, 128], strides = [1, 1]} : vector<40x128xf32> to vector<8x128xf32>
      %slice3A_1111 = vector.extract_strided_slice %get3A_1044 {offsets = [32, 0], sizes = [8, 128], strides = [1, 1]} : vector<40x128xf32> to vector<8x128xf32>
      %slice3A_1112 = vector.extract_strided_slice %get3A_1049 {offsets = [32, 0], sizes = [8, 128], strides = [1, 1]} : vector<40x128xf32> to vector<8x128xf32>
      %gt3A_1113 = arith.cmpf ogt, %select_n3A_1101, %slice3A_1107 : vector<8x128xf32>
      %eq3A_1114 = arith.cmpf oeq, %select_n3A_1101, %slice3A_1107 : vector<8x128xf32>
      %lt3A_1115 = arith.cmpf olt, %select_n3A_1102, %slice3A_1108 : vector<8x128xf32>
      %and3A_1116 = arith.andi %eq3A_1114, %lt3A_1115 : vector<8x128xi1>
      %or3A_1117 = arith.ori %gt3A_1113, %and3A_1116 : vector<8x128xi1>
      %select_n3A_1118 = arith.select %or3A_1117, %select_n3A_1101, %slice3A_1107 : vector<8x128xi1>, vector<8x128xf32>
      %select_n3A_1119 = arith.select %or3A_1117, %select_n3A_1102, %slice3A_1108 : vector<8x128xi1>, vector<8x128xf32>
      %select_n3A_1120 = arith.select %or3A_1117, %select_n3A_1103, %slice3A_1109 : vector<8x128xi1>, vector<8x128xf32>
      %select_n3A_1121 = arith.select %or3A_1117, %select_n3A_1104, %slice3A_1110 : vector<8x128xi1>, vector<8x128xf32>
      %select_n3A_1122 = arith.select %or3A_1117, %select_n3A_1105, %slice3A_1111 : vector<8x128xi1>, vector<8x128xf32>
      %select_n3A_1123 = arith.select %or3A_1117, %select_n3A_1106, %slice3A_1112 : vector<8x128xi1>, vector<8x128xf32>
      %roll3A_1124 = arith.constant 4 : i32
      %roll3A_1125 = tpu.dynamic_rotate %select_n3A_1118 by %roll3A_1124 dim 0 : vector<8x128xf32>, i32 -> vector<8x128xf32>
      %roll3A_1126 = arith.constant 4 : i32
      %roll3A_1127 = tpu.dynamic_rotate %select_n3A_1119 by %roll3A_1126 dim 0 : vector<8x128xf32>, i32 -> vector<8x128xf32>
      %roll3A_1128 = arith.constant 4 : i32
      %roll3A_1129 = tpu.dynamic_rotate %select_n3A_1120 by %roll3A_1128 dim 0 : vector<8x128xf32>, i32 -> vector<8x128xf32>
      %roll3A_1130 = arith.constant 4 : i32
      %roll3A_1131 = tpu.dynamic_rotate %select_n3A_1121 by %roll3A_1130 dim 0 : vector<8x128xf32>, i32 -> vector<8x128xf32>
      %roll3A_1132 = arith.constant 4 : i32
      %roll3A_1133 = tpu.dynamic_rotate %select_n3A_1122 by %roll3A_1132 dim 0 : vector<8x128xf32>, i32 -> vector<8x128xf32>
      %roll3A_1134 = arith.constant 4 : i32
      %roll3A_1135 = tpu.dynamic_rotate %select_n3A_1123 by %roll3A_1134 dim 0 : vector<8x128xf32>, i32 -> vector<8x128xf32>
      %gt3A_1136 = arith.cmpf ogt, %select_n3A_1118, %roll3A_1125 : vector<8x128xf32>
      %eq3A_1137 = arith.cmpf oeq, %select_n3A_1118, %roll3A_1125 : vector<8x128xf32>
      %lt3A_1138 = arith.cmpf olt, %select_n3A_1119, %roll3A_1127 : vector<8x128xf32>
      %and3A_1139 = arith.andi %eq3A_1137, %lt3A_1138 : vector<8x128xi1>
      %or3A_1140 = arith.ori %gt3A_1136, %and3A_1139 : vector<8x128xi1>
      %select_n3A_1141 = arith.select %or3A_1140, %select_n3A_1118, %roll3A_1125 : vector<8x128xi1>, vector<8x128xf32>
      %select_n3A_1142 = arith.select %or3A_1140, %select_n3A_1119, %roll3A_1127 : vector<8x128xi1>, vector<8x128xf32>
      %select_n3A_1143 = arith.select %or3A_1140, %select_n3A_1120, %roll3A_1129 : vector<8x128xi1>, vector<8x128xf32>
      %select_n3A_1144 = arith.select %or3A_1140, %select_n3A_1121, %roll3A_1131 : vector<8x128xi1>, vector<8x128xf32>
      %select_n3A_1145 = arith.select %or3A_1140, %select_n3A_1122, %roll3A_1133 : vector<8x128xi1>, vector<8x128xf32>
      %select_n3A_1146 = arith.select %or3A_1140, %select_n3A_1123, %roll3A_1135 : vector<8x128xi1>, vector<8x128xf32>
      %roll3A_1147 = arith.constant 2 : i32
      %roll3A_1148 = tpu.dynamic_rotate %select_n3A_1141 by %roll3A_1147 dim 0 : vector<8x128xf32>, i32 -> vector<8x128xf32>
      %roll3A_1149 = arith.constant 2 : i32
      %roll3A_1150 = tpu.dynamic_rotate %select_n3A_1142 by %roll3A_1149 dim 0 : vector<8x128xf32>, i32 -> vector<8x128xf32>
      %roll3A_1151 = arith.constant 2 : i32
      %roll3A_1152 = tpu.dynamic_rotate %select_n3A_1143 by %roll3A_1151 dim 0 : vector<8x128xf32>, i32 -> vector<8x128xf32>
      %roll3A_1153 = arith.constant 2 : i32
      %roll3A_1154 = tpu.dynamic_rotate %select_n3A_1144 by %roll3A_1153 dim 0 : vector<8x128xf32>, i32 -> vector<8x128xf32>
      %roll3A_1155 = arith.constant 2 : i32
      %roll3A_1156 = tpu.dynamic_rotate %select_n3A_1145 by %roll3A_1155 dim 0 : vector<8x128xf32>, i32 -> vector<8x128xf32>
      %roll3A_1157 = arith.constant 2 : i32
      %roll3A_1158 = tpu.dynamic_rotate %select_n3A_1146 by %roll3A_1157 dim 0 : vector<8x128xf32>, i32 -> vector<8x128xf32>
      %gt3A_1159 = arith.cmpf ogt, %select_n3A_1141, %roll3A_1148 : vector<8x128xf32>
      %eq3A_1160 = arith.cmpf oeq, %select_n3A_1141, %roll3A_1148 : vector<8x128xf32>
      %lt3A_1161 = arith.cmpf olt, %select_n3A_1142, %roll3A_1150 : vector<8x128xf32>
      %and3A_1162 = arith.andi %eq3A_1160, %lt3A_1161 : vector<8x128xi1>
      %or3A_1163 = arith.ori %gt3A_1159, %and3A_1162 : vector<8x128xi1>
      %select_n3A_1164 = arith.select %or3A_1163, %select_n3A_1141, %roll3A_1148 : vector<8x128xi1>, vector<8x128xf32>
      %select_n3A_1165 = arith.select %or3A_1163, %select_n3A_1142, %roll3A_1150 : vector<8x128xi1>, vector<8x128xf32>
      %select_n3A_1166 = arith.select %or3A_1163, %select_n3A_1143, %roll3A_1152 : vector<8x128xi1>, vector<8x128xf32>
      %select_n3A_1167 = arith.select %or3A_1163, %select_n3A_1144, %roll3A_1154 : vector<8x128xi1>, vector<8x128xf32>
      %select_n3A_1168 = arith.select %or3A_1163, %select_n3A_1145, %roll3A_1156 : vector<8x128xi1>, vector<8x128xf32>
      %select_n3A_1169 = arith.select %or3A_1163, %select_n3A_1146, %roll3A_1158 : vector<8x128xi1>, vector<8x128xf32>
      %roll3A_1170 = arith.constant 1 : i32
      %roll3A_1171 = tpu.dynamic_rotate %select_n3A_1164 by %roll3A_1170 dim 0 : vector<8x128xf32>, i32 -> vector<8x128xf32>
      %roll3A_1172 = arith.constant 1 : i32
      %roll3A_1173 = tpu.dynamic_rotate %select_n3A_1165 by %roll3A_1172 dim 0 : vector<8x128xf32>, i32 -> vector<8x128xf32>
      %roll3A_1174 = arith.constant 1 : i32
      %roll3A_1175 = tpu.dynamic_rotate %select_n3A_1166 by %roll3A_1174 dim 0 : vector<8x128xf32>, i32 -> vector<8x128xf32>
      %roll3A_1176 = arith.constant 1 : i32
      %roll3A_1177 = tpu.dynamic_rotate %select_n3A_1167 by %roll3A_1176 dim 0 : vector<8x128xf32>, i32 -> vector<8x128xf32>
      %roll3A_1178 = arith.constant 1 : i32
      %roll3A_1179 = tpu.dynamic_rotate %select_n3A_1168 by %roll3A_1178 dim 0 : vector<8x128xf32>, i32 -> vector<8x128xf32>
      %roll3A_1180 = arith.constant 1 : i32
      %roll3A_1181 = tpu.dynamic_rotate %select_n3A_1169 by %roll3A_1180 dim 0 : vector<8x128xf32>, i32 -> vector<8x128xf32>
      %gt3A_1182 = arith.cmpf ogt, %select_n3A_1164, %roll3A_1171 : vector<8x128xf32>
      %eq3A_1183 = arith.cmpf oeq, %select_n3A_1164, %roll3A_1171 : vector<8x128xf32>
      %lt3A_1184 = arith.cmpf olt, %select_n3A_1165, %roll3A_1173 : vector<8x128xf32>
      %and3A_1185 = arith.andi %eq3A_1183, %lt3A_1184 : vector<8x128xi1>
      %or3A_1186 = arith.ori %gt3A_1182, %and3A_1185 : vector<8x128xi1>
      %select_n3A_1187 = arith.select %or3A_1186, %select_n3A_1164, %roll3A_1171 : vector<8x128xi1>, vector<8x128xf32>
      %select_n3A_1188 = arith.select %or3A_1186, %select_n3A_1165, %roll3A_1173 : vector<8x128xi1>, vector<8x128xf32>
      %select_n3A_1189 = arith.select %or3A_1186, %select_n3A_1166, %roll3A_1175 : vector<8x128xi1>, vector<8x128xf32>
      %select_n3A_1190 = arith.select %or3A_1186, %select_n3A_1167, %roll3A_1177 : vector<8x128xi1>, vector<8x128xf32>
      %select_n3A_1191 = arith.select %or3A_1186, %select_n3A_1168, %roll3A_1179 : vector<8x128xi1>, vector<8x128xf32>
      %select_n3A_1192 = arith.select %or3A_1186, %select_n3A_1169, %roll3A_1181 : vector<8x128xi1>, vector<8x128xf32>
      %slice3A_1193 = vector.extract_strided_slice %select_n3A_1187 {offsets = [0, 0], sizes = [1, 128], strides = [1, 1]} : vector<8x128xf32> to vector<1x128xf32>
      %slice3A_1194 = vector.extract_strided_slice %select_n3A_1188 {offsets = [0, 0], sizes = [1, 128], strides = [1, 1]} : vector<8x128xf32> to vector<1x128xf32>
      %reduce_max3A_1195 = vector.shape_cast %slice3A_1193 : vector<1x128xf32> to vector<1x1x128xf32>
      %reduce_max3A_1196 = arith.constant dense<0xFF800000> : vector<1xf32>
      %reduce_max3A_1197 = vector.multi_reduction <maximumf>, %reduce_max3A_1195, %reduce_max3A_1196 [1, 2] : vector<1x1x128xf32> to vector<1xf32>
      %reduce_max3A_1198 = vector.shape_cast %reduce_max3A_1197 : vector<1xf32> to vector<1x1x1xf32>
      %reduce_max3A_1199 = vector.extract %reduce_max3A_1198[0, 0, 0] : f32 from vector<1x1x1xf32>
      %broadcast_in_dim3A_1200 = vector.broadcast %reduce_max3A_1199 : f32 to vector<1x1xf32>
      %broadcast_in_dim3A_1201 = vector.shape_cast %broadcast_in_dim3A_1200 : vector<1x1xf32> to vector<1x1xf32>
      %broadcast_in_dim3A_1202 = vector.broadcast %broadcast_in_dim3A_1201 : vector<1x1xf32> to vector<1x128xf32>
      %eq3A_1203 = arith.cmpf oeq, %slice3A_1193, %broadcast_in_dim3A_1202 : vector<1x128xf32>
      %broadcast_in_dim3A_1204 = vector.broadcast %scan3A : f32 to vector<1x128xf32>
      %select_n3A_1205 = arith.select %eq3A_1203, %slice3A_1194, %broadcast_in_dim3A_1204 : vector<1x128xi1>, vector<1x128xf32>
      %reduce_min3A_1206 = vector.shape_cast %select_n3A_1205 : vector<1x128xf32> to vector<1x1x128xf32>
      %reduce_min3A_1207 = arith.constant dense<0x7F800000> : vector<1xf32>
      %reduce_min3A_1208 = vector.multi_reduction <minimumf>, %reduce_min3A_1206, %reduce_min3A_1207 [1, 2] : vector<1x1x128xf32> to vector<1xf32>
      %reduce_min3A_1209 = vector.shape_cast %reduce_min3A_1208 : vector<1xf32> to vector<1x1x1xf32>
      %reduce_min3A_1210 = vector.extract %reduce_min3A_1209[0, 0, 0] : f32 from vector<1x1x1xf32>
      %broadcast_in_dim3A_1211 = vector.broadcast %reduce_min3A_1210 : f32 to vector<1x1xf32>
      %broadcast_in_dim3A_1212 = vector.shape_cast %broadcast_in_dim3A_1211 : vector<1x1xf32> to vector<1x1xf32>
      %broadcast_in_dim3A_1213 = vector.broadcast %broadcast_in_dim3A_1212 : vector<1x1xf32> to vector<1x128xf32>
      %eq3A_1214 = arith.cmpf oeq, %slice3A_1194, %broadcast_in_dim3A_1213 : vector<1x128xf32>
      %slice3A_1215 = vector.extract_strided_slice %select_n3A_1189 {offsets = [0, 0], sizes = [1, 128], strides = [1, 1]} : vector<8x128xf32> to vector<1x128xf32>
      %broadcast_in_dim3A_1216 = vector.broadcast %scan3A_72 : f32 to vector<1x128xf32>
      %select_n3A_1217 = arith.select %eq3A_1214, %slice3A_1215, %broadcast_in_dim3A_1216 : vector<1x128xi1>, vector<1x128xf32>
      %reduce_max3A_1218 = vector.shape_cast %select_n3A_1217 : vector<1x128xf32> to vector<1x1x128xf32>
      %reduce_max3A_1219 = arith.constant dense<0xFF800000> : vector<1xf32>
      %reduce_max3A_1220 = vector.multi_reduction <maximumf>, %reduce_max3A_1218, %reduce_max3A_1219 [1, 2] : vector<1x1x128xf32> to vector<1xf32>
      %reduce_max3A_1221 = vector.shape_cast %reduce_max3A_1220 : vector<1xf32> to vector<1x1x1xf32>
      %reduce_max3A_1222 = vector.extract %reduce_max3A_1221[0, 0, 0] : f32 from vector<1x1x1xf32>
      %broadcast_in_dim3A_1223 = vector.broadcast %reduce_max3A_1222 : f32 to vector<1x1xf32>
      %broadcast_in_dim3A_1224 = vector.shape_cast %broadcast_in_dim3A_1223 : vector<1x1xf32> to vector<1x1xf32>
      %broadcast_in_dim3A_1225 = vector.broadcast %broadcast_in_dim3A_1224 : vector<1x1xf32> to vector<40x128xf32>
      %slice3A_1226 = vector.extract_strided_slice %select_n3A_1190 {offsets = [0, 0], sizes = [1, 128], strides = [1, 1]} : vector<8x128xf32> to vector<1x128xf32>
      %broadcast_in_dim3A_1227 = vector.broadcast %scan3A_72 : f32 to vector<1x128xf32>
      %select_n3A_1228 = arith.select %eq3A_1214, %slice3A_1226, %broadcast_in_dim3A_1227 : vector<1x128xi1>, vector<1x128xf32>
      %reduce_max3A_1229 = vector.shape_cast %select_n3A_1228 : vector<1x128xf32> to vector<1x1x128xf32>
      %reduce_max3A_1230 = arith.constant dense<0xFF800000> : vector<1xf32>
      %reduce_max3A_1231 = vector.multi_reduction <maximumf>, %reduce_max3A_1229, %reduce_max3A_1230 [1, 2] : vector<1x1x128xf32> to vector<1xf32>
      %reduce_max3A_1232 = vector.shape_cast %reduce_max3A_1231 : vector<1xf32> to vector<1x1x1xf32>
      %reduce_max3A_1233 = vector.extract %reduce_max3A_1232[0, 0, 0] : f32 from vector<1x1x1xf32>
      %broadcast_in_dim3A_1234 = vector.broadcast %reduce_max3A_1233 : f32 to vector<1x1xf32>
      %broadcast_in_dim3A_1235 = vector.shape_cast %broadcast_in_dim3A_1234 : vector<1x1xf32> to vector<1x1xf32>
      %broadcast_in_dim3A_1236 = vector.broadcast %broadcast_in_dim3A_1235 : vector<1x1xf32> to vector<40x128xf32>
      %slice3A_1237 = vector.extract_strided_slice %select_n3A_1191 {offsets = [0, 0], sizes = [1, 128], strides = [1, 1]} : vector<8x128xf32> to vector<1x128xf32>
      %broadcast_in_dim3A_1238 = vector.broadcast %scan3A_72 : f32 to vector<1x128xf32>
      %select_n3A_1239 = arith.select %eq3A_1214, %slice3A_1237, %broadcast_in_dim3A_1238 : vector<1x128xi1>, vector<1x128xf32>
      %reduce_max3A_1240 = vector.shape_cast %select_n3A_1239 : vector<1x128xf32> to vector<1x1x128xf32>
      %reduce_max3A_1241 = arith.constant dense<0xFF800000> : vector<1xf32>
      %reduce_max3A_1242 = vector.multi_reduction <maximumf>, %reduce_max3A_1240, %reduce_max3A_1241 [1, 2] : vector<1x1x128xf32> to vector<1xf32>
      %reduce_max3A_1243 = vector.shape_cast %reduce_max3A_1242 : vector<1xf32> to vector<1x1x1xf32>
      %reduce_max3A_1244 = vector.extract %reduce_max3A_1243[0, 0, 0] : f32 from vector<1x1x1xf32>
      %broadcast_in_dim3A_1245 = vector.broadcast %reduce_max3A_1244 : f32 to vector<1x1xf32>
      %broadcast_in_dim3A_1246 = vector.shape_cast %broadcast_in_dim3A_1245 : vector<1x1xf32> to vector<1x1xf32>
      %broadcast_in_dim3A_1247 = vector.broadcast %broadcast_in_dim3A_1246 : vector<1x1xf32> to vector<40x128xf32>
      %slice3A_1248 = vector.extract_strided_slice %select_n3A_1192 {offsets = [0, 0], sizes = [1, 128], strides = [1, 1]} : vector<8x128xf32> to vector<1x128xf32>
      %broadcast_in_dim3A_1249 = vector.broadcast %scan3A_72 : f32 to vector<1x128xf32>
      %select_n3A_1250 = arith.select %eq3A_1214, %slice3A_1248, %broadcast_in_dim3A_1249 : vector<1x128xi1>, vector<1x128xf32>
      %reduce_max3A_1251 = vector.shape_cast %select_n3A_1250 : vector<1x128xf32> to vector<1x1x128xf32>
      %reduce_max3A_1252 = arith.constant dense<0xFF800000> : vector<1xf32>
      %reduce_max3A_1253 = vector.multi_reduction <maximumf>, %reduce_max3A_1251, %reduce_max3A_1252 [1, 2] : vector<1x1x128xf32> to vector<1xf32>
      %reduce_max3A_1254 = vector.shape_cast %reduce_max3A_1253 : vector<1xf32> to vector<1x1x1xf32>
      %reduce_max3A_1255 = vector.extract %reduce_max3A_1254[0, 0, 0] : f32 from vector<1x1x1xf32>
      %broadcast_in_dim3A_1256 = vector.broadcast %reduce_max3A_1255 : f32 to vector<1x1xf32>
      %broadcast_in_dim3A_1257 = vector.shape_cast %broadcast_in_dim3A_1256 : vector<1x1xf32> to vector<1x1xf32>
      %broadcast_in_dim3A_1258 = vector.broadcast %broadcast_in_dim3A_1257 : vector<1x1xf32> to vector<40x128xf32>
      %broadcast_in_dim3A_1259 = vector.shape_cast %broadcast_in_dim3A_1211 : vector<1x1xf32> to vector<1x1xf32>
      %broadcast_in_dim3A_1260 = vector.broadcast %broadcast_in_dim3A_1259 : vector<1x1xf32> to vector<40x128xf32>
      %eq3A_1261 = arith.cmpf oeq, %convert_element_type3A_1029, %broadcast_in_dim3A_1260 : vector<40x128xf32>
      %mul3A_1262 = arith.constant 5.000000e-01 : f32
      %mul3A_1263 = vector.broadcast %mul3A_1262 : f32 to vector<40x128xf32>
      %mul3A_1264 = arith.mulf %mul3A_1263, %broadcast_in_dim3A_1247 : vector<40x128xf32>
      %sub3A_1265 = arith.subf %broadcast_in_dim3A_1225, %mul3A_1264 : vector<40x128xf32>
      %mul3A_1266 = arith.constant 5.000000e-01 : f32
      %mul3A_1267 = vector.broadcast %mul3A_1266 : f32 to vector<40x128xf32>
      %mul3A_1268 = arith.mulf %mul3A_1267, %broadcast_in_dim3A_1247 : vector<40x128xf32>
      %add3A_1269 = arith.addf %broadcast_in_dim3A_1225, %mul3A_1268 : vector<40x128xf32>
      %mul3A_1270 = arith.constant 5.000000e-01 : f32
      %mul3A_1271 = vector.broadcast %mul3A_1270 : f32 to vector<40x128xf32>
      %mul3A_1272 = arith.mulf %mul3A_1271, %broadcast_in_dim3A_1258 : vector<40x128xf32>
      %sub3A_1273 = arith.subf %broadcast_in_dim3A_1236, %mul3A_1272 : vector<40x128xf32>
      %mul3A_1274 = arith.constant 5.000000e-01 : f32
      %mul3A_1275 = vector.broadcast %mul3A_1274 : f32 to vector<40x128xf32>
      %mul3A_1276 = arith.mulf %mul3A_1275, %broadcast_in_dim3A_1258 : vector<40x128xf32>
      %add3A_1277 = arith.addf %broadcast_in_dim3A_1236, %mul3A_1276 : vector<40x128xf32>
      %mul3A_1278 = arith.mulf %broadcast_in_dim3A_1247, %broadcast_in_dim3A_1258 : vector<40x128xf32>
      %get3A_1279 = arith.constant 0 : index
      %get3A_1280 = arith.constant 0 : index
      %get3A_1281 = vector.load %arg6[%get3A_1279, %get3A_1280] : memref<40x128xf32, #tpu.memory_space<vmem>>, vector<40x128xf32>
      %min3A_1282 = arith.minimumf %get3A_1281, %add3A_1269 : vector<40x128xf32>
      %get3A_1283 = arith.constant 0 : index
      %get3A_1284 = arith.constant 0 : index
      %get3A_1285 = vector.load %arg5[%get3A_1283, %get3A_1284] : memref<40x128xf32, #tpu.memory_space<vmem>>, vector<40x128xf32>
      %max3A_1286 = arith.maximumf %get3A_1285, %sub3A_1265 : vector<40x128xf32>
      %sub3A_1287 = arith.subf %min3A_1282, %max3A_1286 : vector<40x128xf32>
      %max3A_1288 = arith.constant 0.000000e+00 : f32
      %max3A_1289 = vector.broadcast %max3A_1288 : f32 to vector<40x128xf32>
      %max3A_1290 = arith.maximumf %sub3A_1287, %max3A_1289 : vector<40x128xf32>
      %get3A_1291 = arith.constant 0 : index
      %get3A_1292 = arith.constant 0 : index
      %get3A_1293 = vector.load %arg8[%get3A_1291, %get3A_1292] : memref<40x128xf32, #tpu.memory_space<vmem>>, vector<40x128xf32>
      %min3A_1294 = arith.minimumf %get3A_1293, %add3A_1277 : vector<40x128xf32>
      %get3A_1295 = arith.constant 0 : index
      %get3A_1296 = arith.constant 0 : index
      %get3A_1297 = vector.load %arg7[%get3A_1295, %get3A_1296] : memref<40x128xf32, #tpu.memory_space<vmem>>, vector<40x128xf32>
      %max3A_1298 = arith.maximumf %get3A_1297, %sub3A_1273 : vector<40x128xf32>
      %sub3A_1299 = arith.subf %min3A_1294, %max3A_1298 : vector<40x128xf32>
      %max3A_1300 = arith.constant 0.000000e+00 : f32
      %max3A_1301 = vector.broadcast %max3A_1300 : f32 to vector<40x128xf32>
      %max3A_1302 = arith.maximumf %sub3A_1299, %max3A_1301 : vector<40x128xf32>
      %mul3A_1303 = arith.mulf %max3A_1290, %max3A_1302 : vector<40x128xf32>
      %get3A_1304 = arith.constant 0 : index
      %get3A_1305 = arith.constant 0 : index
      %get3A_1306 = vector.load %arg9[%get3A_1304, %get3A_1305] : memref<40x128xf32, #tpu.memory_space<vmem>>, vector<40x128xf32>
      %add3A_1307 = arith.addf %get3A_1306, %mul3A_1278 : vector<40x128xf32>
      %sub3A_1308 = arith.subf %add3A_1307, %mul3A_1303 : vector<40x128xf32>
      %max3A_1309 = arith.constant 9.99999993E-9 : f32
      %max3A_1310 = vector.broadcast %max3A_1309 : f32 to vector<40x128xf32>
      %max3A_1311 = arith.maximumf %sub3A_1308, %max3A_1310 : vector<40x128xf32>
      %div3A_1312 = arith.divf %mul3A_1303, %max3A_1311 : vector<40x128xf32>
      %gt3A_1313 = vector.broadcast %get3A_0 : f32 to vector<40x128xf32>
      %gt3A_1314 = arith.cmpf ogt, %div3A_1312, %gt3A_1313 : vector<40x128xf32>
      %or3A_1315 = arith.ori %gt3A_1314, %eq3A_1261 : vector<40x128xi1>
      %and3A_1316 = vector.broadcast %lt3A_1022 : i1 to vector<40x128xi1>
      %and3A_1317 = arith.andi %or3A_1315, %and3A_1316 : vector<40x128xi1>
      %jit3A_1318 = arith.constant -1.000000e+09 : f32
      %broadcast_in_dim3A_1319 = vector.broadcast %jit3A_1318 : f32 to vector<40x128xf32>
      %select_n3A_1320 = arith.select %and3A_1317, %broadcast_in_dim3A_1319, %select_n3A_1003 : vector<40x128xi1>, vector<40x128xf32>
      %convert_element_type3A_1321 = arith.fptosi %broadcast_in_dim3A_1211 : vector<1x1xf32> to vector<1x1xi32>
      %broadcast_in_dim3A_1322 = vector.shape_cast %convert_element_type3A_1321 : vector<1x1xi32> to vector<1x1xi32>
      %broadcast_in_dim3A_1323 = vector.broadcast %broadcast_in_dim3A_1322 : vector<1x1xi32> to vector<2x128xi32>
      %eq3A_1324 = vector.broadcast %add3A_1021 : i32 to vector<2x128xi32>
      %eq3A_1325 = arith.cmpi eq, %add3A_59, %eq3A_1324 : vector<2x128xi32>
      %and3A_1326 = vector.broadcast %lt3A_1022 : i1 to vector<2x128xi1>
      %and3A_1327 = arith.andi %eq3A_1325, %and3A_1326 : vector<2x128xi1>
      %get3A_1328 = arith.constant 0 : index
      %get3A_1329 = arith.constant 0 : index
      %get3A_1330 = vector.load %arg4[%get3A_1328, %get3A_1329] : memref<2x128xi32, #tpu.memory_space<vmem>>, vector<2x128xi32>
      %select_n3A_1331 = arith.select %and3A_1327, %broadcast_in_dim3A_1323, %get3A_1330 : vector<2x128xi1>, vector<2x128xi32>
      %swap3A_1332 = arith.constant 0 : index
      %swap3A_1333 = arith.constant 0 : index
      %swap3A_1334 = vector.load %arg4[%swap3A_1332, %swap3A_1333] : memref<2x128xi32, #tpu.memory_space<vmem>>, vector<2x128xi32>
      tpu.vector_store %arg4[%swap3A_1332, %swap3A_1333], %select_n3A_1331 {strides = array<i32>} : memref<2x128xi32, #tpu.memory_space<vmem>>, vector<2x128xi32>,
      scf.yield %select_n3A_1320 : vector<40x128xf32>
    }
    %scan3A_78 = arith.constant 50 : i32
    return
  }
}

</mosaic_0001>

<sc_bundles>
// kernel: kernel.4.cloned.1.call-start
scs
__scs_entry_jumppad:
0x0: {  	(pc) =	sbr.rel $0x88, $3  }
0x1: {  	(tag) =	ssettag $0x0;
	lr =	simm.s32 $0x1  }
0x2: {  	[smem:$0x3F9C] =	sst lr;
	_ =	strace $0xD0000000  }
0x3: {  	_ = 	snop  }
0x4: {  	_ = 	snop  }
0x5: {  	_ = 	snop  }
0x6: {  	_ = 	snop  }
0x7: {  	_ = 	snop  }
__scs_overlays_trampoline_lowered:
0x8: {  	[smem:$0x3FAB] =	sst s0  }
0x9: {  	[smem:$0x3FAC] =	sst s1  }
0xa: {  	[smem:$0x3FAD] =	sst s2  }
0xb: {  	[smem:$0x3FAE] =	sst s3  }
0xc: {  	[smem:$0x3FAF] =	sst s4  }
0xd: {  	[smem:$0x3FB0] =	sst s5  }
0xe: {  	[smem:$0x3FB1] =	sst s6  }
0xf: {  	[smem:$0x3FB2] =	sst s7  }
0x10: {  	[smem:$0x3FB3] =	sst s8  }
0x11: {  	[smem:$0x3FB4] =	sst s9;
	s0 =	simm.s32 @!p0 $0x0  }
0x12: {  	s1 =	sld [smem:$0x3F9A];
	s0 =	simm.s32 @p0 $0x1  }
0x13: {  	[smem:$0x3FB5] =	sst s0;
	s0 =	simm.s32 @!p1 $0x0  }
0x14: {  	s2 =	sld [smem:$0x3F99];
	s0 =	simm.s32 @p1 $0x1  }
0x15: {  	[smem:$0x3FB6] =	sst s0;
	s0 =	simm.s32 @!p2 $0x0  }
0x16: {  	s3 =	sld [smem:$0x3FDB];
	s0 =	simm.s32 @p2 $0x1  }
0x17: {  	s4 =	simm.s32 $0x1BF5;
	[smem:$0x3FB8] =	sst s0  }
0x18: {  	s0 =	sld [smem:$0x3F9B];
	_ =	swait.ge [sflag:s4], $0x0  }
0x19: {  	s7 =	sld [smem:$0x3F9C]  }
0x1a: {  	s8 =	sadd.s32 $0xFFFFE003, lr  }
0x1b: {  	s9 =	sadd.s32 $0xFFFFFEF7, lr;
	s5 =	simm.s32 $0xFFFFFFFF;
	p2 =	slt.u32 s8, $0xFFFFF086  }
0x1c: {  	p1 =	slt.u32 s9, $0xF7A;
	s5 =	simm.s32 @!p2 $0x0  }
0x1d: {  	s5 =	simm.s32 @p1 $0x1;
	p0 =	seq.s32 s7, s2  }
0x1e: {  	s7 =	smul.u32 @!p0 $0xF7A, s2;
	p2 =	seq.s32 @!p0 s5, $0x0  }
0x1f: {  	s9 =	smul.u32 $0xF7A, s1;
	s8 =	simm.s32 @!p0 $0x1BF5;
	p2 =	por !p2, p0  }
0x20: {  	[sflag:s8] =	ssyncset.s32 @!p0 $0xFFFFF086;
	s6 =	sadd.s32 @!p0 s3, s7;
	s7 =	simm.s32 @!p0 $0x108  }
0x21: {  	s3 =	sadd.s32 s3, s9;
	s6 =	sadd.s32 @!p0 $0x88, s6;
	s7 =	simm.s32 @p2 $0x1082  }
0x22: {  	[simem:s7], [sflag:s8] =	dma.local @!p0 [hbm:s6], $0xF7A  }
0x23: {  	s9 =	sor.u32 $0xD0000000, s2;
	s6 =	simm.s32 $0x108;
	_ =	swait.ge @!p0 [sflag:s8], $0x0  }
0x24: {  	s3 =	sadd.s32 $0x88, s3;
	s6 =	simm.s32 @!p1 $0x1082;
	[sflag:s4] =	ssyncset.s32 $0xFFFFF086  }
0x25: {  	[simem:s6], [sflag:s4] =	dma.local [hbm:s3], $0xF7A  }
0x26: {  	[smem:$0x3F9C] =	sst s1;
	(tag) =	ssettag s2;
	_ =	strace s9  }
0x27: {  	s1 =	sld [smem:$0x3FAC]  }
0x28: {  	s2 =	sld [smem:$0x3FAD]  }
0x29: {  	s4 =	sld [smem:$0x3FAF]  }
0x2a: {  	p0 =	seq.s32 s5, $0x0;
	s5 =	sld [smem:$0x3FB0]  }
0x2b: {  	s6 =	sld [smem:$0x3FB1]  }
0x2c: {  	s7 =	sld [smem:$0x3FB2]  }
0x2d: {  	s3 =	simm.s32 $0x108;
	s8 =	sld [smem:$0x3FB3]  }
0x2e: {  	s3 =	simm.s32 @!p0 $0x1082;
	s9 =	sld [smem:$0x3FB4]  }
0x2f: {  	lr =	sadd.s32 s0, s3;
	s0 =	sld [smem:$0x3FAB]  }
0x30: {  	s3 =	sld [smem:$0x3FAE]  }
0x31: {  	[smem:$0x3FB7] =	sst s10  }
0x32: {  	s10 =	sld [smem:$0x3FB5];
	_ =	sdelay $0x3  }
0x33: {  	p0 =	seq.s32 s10, $0x1;
	s10 =	sld [smem:$0x3FB7];
	_ =	sdelay $0x3  }
0x34: {  	[smem:$0x3FB7] =	sst s10  }
0x35: {  	s10 =	sld [smem:$0x3FB6];
	_ =	sdelay $0x3  }
0x36: {  	p1 =	seq.s32 s10, $0x1;
	s10 =	sld [smem:$0x3FB7];
	_ =	sdelay $0x3  }
0x37: {  	[smem:$0x3FB7] =	sst s10  }
0x38: {  	s10 =	sld [smem:$0x3FB8]  }
0x39: {  	_ = 	snop;
	(pc) =	sbr.ind lr, $3  }
0x3a: {  	_ = 	snop  }
0x3b: {  	_ = 	snop  }
0x3c: {  	p2 =	seq.s32 s10, $0x1;
	s10 =	sld [smem:$0x3FB7]  }
0x3d: {  	_ =	shalt  }
0x3e: {  	_ =	shalt  }
0x3f: {  	_ =	shalt  }
0x40: {  	_ =	shalt  }
0x41: {  	_ =	shalt  }
0x42: {  	_ =	shalt  }
0x43: {  	_ =	shalt  }
0x44: {  	_ =	shalt  }
0x45: {  	_ =	shalt  }
0x46: {  	_ =	shalt  }
0x47: {  	_ =	shalt  }
0x48: {  	_ =	shalt  }
0x49: {  	_ =	shalt  }
0x4a: {  	_ =	shalt  }
0x4b: {  	_ =	shalt  }
0x4c: {  	_ =	shalt  }
0x4d: {  	_ =	shalt  }
0x4e: {  	_ =	shalt  }
0x4f: {  	_ =	shalt  }
0x50: {  	_ =	shalt  }
0x51: {  	_ =	shalt  }
0x52: {  	_ =	shalt  }
0x53: {  	_ =	shalt  }
0x54: {  	_ =	shalt  }
0x55: {  	_ =	shalt  }
0x56: {  	_ =	shalt  }
0x57: {  	_ =	shalt  }
0x58: {  	_ =	shalt  }
0x59: {  	_ =	shalt  }
0x5a: {  	_ =	shalt  }
0x5b: {  	_ =	shalt  }
0x5c: {  	_ =	shalt  }
0x5d: {  	_ =	shalt  }
0x5e: {  	_ =	shalt  }
0x5f: {  	_ =	shalt  }
0x60: {  	_ =	shalt  }
0x61: {  	_ =	shalt  }
0x62: {  	_ =	shalt  }
0x63: {  	_ =	shalt  }
0x64: {  	_ =	shalt  }
0x65: {  	_ =	shalt  }
0x66: {  	_ =	shalt  }
0x67: {  	_ =	shalt  }
0x68: {  	_ =	shalt  }
0x69: {  	_ =	shalt  }
0x6a: {  	_ =	shalt  }
0x6b: {  	_ =	shalt  }
0x6c: {  	_ =	shalt  }
0x6d: {  	_ =	shalt  }
0x6e: {  	_ =	shalt  }
0x6f: {  	_ =	shalt  }
0x70: {  	_ =	shalt  }
0x71: {  	_ =	shalt  }
0x72: {  	_ =	shalt  }
0x73: {  	_ =	shalt  }
0x74: {  	_ =	shalt  }
0x75: {  	_ =	shalt  }
0x76: {  	_ =	shalt  }
0x77: {  	_ =	shalt  }
0x78: {  	_ =	shalt  }
0x79: {  	_ =	shalt  }
0x7a: {  	_ =	shalt  }
0x7b: {  	_ =	shalt  }
0x7c: {  	_ =	shalt  }
0x7d: {  	_ =	shalt  }
0x7e: {  	_ =	shalt  }
0x7f: {  	_ =	shalt  }
0x80: {  	_ =	shalt  }
0x81: {  	_ =	shalt  }
0x82: {  	_ =	shalt  }
0x83: {  	_ =	shalt  }
0x84: {  	_ =	shalt  }
0x85: {  	_ =	shalt  }
0x86: {  	_ =	shalt  }
0x87: {  	_ =	shalt  }
.Lfunc_end0:
.L_simem_size_0:
called_computation_lowered:
.L_overlay_start_0:
0x88: {  	s2 =	sld [smem:$0x3FD9]  }
0x89: {  	s3 =	sld [smem:$0x3FFE];
	_ =	sdelay $0x1  }
0x8a: {  	s1 =	srdreg.scid  }
0x8b: {  	s0 =	sand.u32 $0x1, s1  }
0x8c: {  	s14 =	sshll.u32 s0, $0xA;
	s2 =	sadd.s32 s3, s2  }
0x8d: {  	s2 =	sadd.s32 s2, s14  }
0x8e: {  	[smem:$0x3FC3] =	sst s2  }
0x8f: {  	_ = 	snop  }
0x90: {  	s2 =	sld [smem:$0x3FD0];
	_ =	sdelay $0x2  }
0x91: {  	s15 =	simm.s32 $0xA;
	s4 =	simm.s32 $0x10  }
0x92: {  	[smem:s4], [sflag:s15] =	dma.local [hbm:s2], $0x1  }
0x93: {  	_ =	swait.eq [sflag:s15], $0x1  }
0x94: {  	[sflag:s15] =	ssyncset.done $0x0  }
0x95: {  	s16 =	sld [smem:$0x10];
	[sflag:s15] =	ssyncadd.s32 $0xFFFFFFFF  }
0x96: {  	s17 =	sld [smem:$0x11];
	(tm) =	ssettm $0x1  }
0x97: {  	s18 =	sld [smem:$0x3FFB];
	_ =	sdelay $0x3  }
0x98: {  	_ =	strace s18  }
0x99: {  	s4 =	sld [smem:$0x3FFC];
	_ =	sdelay $0x3  }
0x9a: {  	_ =	strace s4  }
0x9b: {  	s4 =	sld [smem:$0x3FFD];
	_ =	sdelay $0x3  }
0x9c: {  	_ =	strace s4  }
0x9d: {  	_ =	strace $0x8FFFFFFF  }
0x9e: {  	s19 =	sld [smem:$0x3FDB];
	_ =	sdelay $0x1  }
0x9f: {  	s5 =	simm.s32 $_scs_section_size  }
0xa0: {  	s6 =	simm.s32 $_size__tile_overlayer_lowered;
	s7 =	simm.s32 $_tile_overlayer_lowered  }
0xa1: {  	s22 =	simm.s32 $0x1BFF;
	s21 =	sshll.u32 s7, $0x1;
	s4 =	sadd.s32 s5, s19  }
0xa2: {  	s8 =	simm.s32 $0x0;
	s20 =	sshll.u32 s6, $0x1;
	s6 =	sadd.s32 s21, s4  }
0xa3: {  	[timem:s8], [sflag:s22] =	dma.local [hbm:s6], s20  }
0xa4: {  	_ =	swait.ge [sflag:s22], s20  }
0xa5: {  	s5 =	ssub.s32 $0x0, s20;
	[sflag:s22] =	ssyncset.done $0x0  }
0xa6: {  	[sflag:s22] =	ssyncadd.s32 s5;
	_ =	sdelay $0x1  }
0xa7: {  	s23 =	simm.s32 $0x1B8B  }
0xa8: {  	_ =	swait.ge [sflag:s23], $0x1  }
0xa9: {  	[sflag:s23] =	ssyncset.done $0x0  }
0xaa: {  	s25 =	simm.s32 $0x1B8E;
	s24 =	sld [smem:$0x3FFE];
	[sflag:s23] =	ssyncadd.s32 $0xFFFFFFFF  }
0xab: {  	s26 =	simm.s32 $execute0_lowered;
	[smem:$0x3FD2] =	sst s25  }
0xac: {  	s6 =	sshll.u32 s26, $0x1;
	_ =	strace $0x80000046;
	[dreg:$0x1] =	wrdreg $0xFFFFFFFF  }
0xad: {  	s28 =	simm.s32 $_size_execute0_lowered;
	s4 =	sadd.s32 s4, s6;
	[dreg:$0x0] =	wrdreg $0x0  }
0xae: {  	s6 =	sshll.u32 s28, $0x1;
	[dreg:$0x2] =	wrdreg s4  }
0xaf: {  	[dreg:$0x3] =	wrdreg s6  }
0xb0: {  	[dreg:$0x4] =	wrdreg $0xC0  }
0xb1: {  	_ =	task [dreg:s8], $0x5FFFF  }
0xb2: {  	[dreg:$0x1] =	wrdreg $0xFFFFFFFF  }
0xb3: {  	[dreg:$0x0] =	wrdreg $0x60  }
0xb4: {  	[dreg:$0x2] =	wrdreg s24  }
0xb5: {  	[dreg:$0x3] =	wrdreg s17  }
0xb6: {  	[dreg:$0x4] =	wrdreg s16  }
0xb7: {  	[dreg:$0x5] =	wrdreg $0x9  }
0xb8: {  	_ =	task.clear_ibuf [dreg:s8], $0x6FFFF;
	_ =	strace $0x90000046  }
0xb9: {  	s29 =	simm.s32 $0x9;
	_ =	strace $0x80000048  }
0xba: {  	_ =	swait.ge [sflag:s29], $0x1  }
0xbb: {  	[sflag:s29] =	ssyncadd.s32 $0xFFFFFFFF  }
0xbc: {  	_ =	strace $0x90000048  }
0xbd: {  	_ =	sfence  }
0xbe: {  	s30 =	sld [smem:$0x0];
	_ =	sdelay $0x2  }
0xbf: {  	s31 =	sshll.u32 s1, $0xD;
	s1 =	sshrl.u32 s1, $0x2  }
0xc0: {  	s3 =	sand.u32 $0x4000, s31;
	s1 =	sadd.s32 s1, s30  }
0xc1: {  	s0 =	sor.u32 s3, s0;
	s1 =	sshll.u32 s1, $0x11  }
0xc2: {  	s0 =	sor.u32 s1, s0  }
0xc3: {  	s0 =	sadd.s32 $0x8F2B, s0  }
0xc4: {  	[sflag:s0] =	ssyncadd.remote.s32 $0x1  }
0xc5: {  	_ =	sfence.sel $0xFFFF  }
0xc6: {  	[dreg:$0x0] =	wrdreg $0xFFFFFFFF;
	(pc) =	sbr.abs _section_cstart, $3  }
0xc7: {  	[dreg:$0x1] =	wrdreg $0xFFFFFFFF  }
0xc8: {  	_ =	task.clear_ibuf [dreg:s8], $0x2FFFF;
	_ =	strace $0x9FFFFFFF  }
0xc9: {  	(tm) =	ssettm $0x7FFFFFFF  }
tec
execute0_lowered:
.L_overlay_start_1:
0x0: {  	(tag) =	ssettag $0x1  }
0x1: {  	s5 =	rddreg [dreg:$0x0]  }
0x2: {  	s1 =	srdreg.scid;
	s3 =	rddreg [dreg:$0x1]  }
0x3: {  	s0 =	stileid.u32;
	s8 =	rddreg [dreg:$0x2];
	s6 =	sand.u32 $0x1, s1  }
0x4: {  	s2 =	simm.s32 $0x0;
	s4 =	sshll.u32 s0, $0x4;
	s7 =	sshll.u32 s6, $0x3  }
0x5: {  	[smem:$0x7FF] =	sst s2;
	s9 =	sor.u32 s7, s4  }
0x6: {  	s1 =	rddreg [dreg:$0x3];
	_ =	strace $0x80000047;
	s4 =	sshrl.u32 s9, $0x3  }
0x7: {  	s10 =	ssub.s32 $0x2, s6;
	s4 =	sadd.s32 s3, s4;
	s3 =	simm.s32 $0x2  }
0x8: {  	[tilespmem:s2], [sflag:$0x2] =	stream.linear.gather [hbm4b:s4+s2], $0x8, $0x38;
	[tilespmem:$0x48] =	vst v63  }
0x9: {  	s5 =	sadd.s32 $0x400, s5;
	s11 =	sshrl.u32 s10, $0x1;
	_ =	swait.ge [sflag:s3], $0x8  }
0xa: {  	s6 =	simm.s32 $0x8;
	s10 =	ssub.s32 s10, s11;
	[sflag:s3] =	ssyncset.done $0x0  }
0xb: {  	s7 =	simm.s32 $0x1;
	s31 =	smax.u32 s10, $0x1;
	[sflag:s3] =	ssyncadd.s32 $0xFFFFFFF8  }
0xc: {  	[tilespmem:s6], [sflag:$0x1] =	stream.indirect.gather [hbm4b:s5+s6], $0x8, s2, s6, $0xb8;
	[tilespmem:$0x48] =	vst v63  }
0xd: {  	p0 =	sne.s32 s31, $0x1;
	_ =	swait.ge [sflag:s7], $0x40  }
.Ltmp0:
0xe: {  	[sflag:s7] =	ssyncset.done $0x0;
	(pc) =	sbr.rel @!p0 .LBB2_2-.Ltmp0, $4  }
0xf: {  	s8 =	sadd.s32 s8, s9;
	[sflag:s7] =	ssyncadd.s32 $0xFFFFFFC0  }
0x10: {  	[hbm4b:s8+s2] =	stream.linear.scatter [tilespmem:s6], [sflag:$0x2], $0x40, $0x38;
	[tilespmem:$0x48] =	vst v63  }
0x11: {  	_ =	swait.ge [sflag:s3], $0x40  }
0x12: {  	s9 =	sadd.s32 $0xFFFFFFFF, s31;
	[sflag:s3] =	ssyncset.done $0x0  }
.LBB2_1:
0x13: {  	p0 =	sne.s32 s9, $0x1;
	s9 =	sadd.s32 $0xFFFFFFFF, s9;
	[sflag:s3] =	ssyncadd.s32 $0xFFFFFFC0  }
0x14: {  	[tilespmem:s2], [sflag:$0x2] =	stream.linear.gather [hbm4b:s4+s2], $0x8, $0x38;
	[tilespmem:$0x48] =	vst v63  }
0x15: {  	_ =	swait.ge [sflag:s3], $0x8  }
0x16: {  	[sflag:s3] =	ssyncset.done $0x0  }
0x17: {  	[sflag:s3] =	ssyncadd.s32 $0xFFFFFFF8  }
0x18: {  	[tilespmem:s6], [sflag:$0x1] =	stream.indirect.gather [hbm4b:s5+s6], $0x8, s2, s6, $0xb8;
	[tilespmem:$0x48] =	vst v63  }
0x19: {  	_ =	swait.ge [sflag:s7], $0x40  }
.Ltmp1:
0x1a: {  	[sflag:s7] =	ssyncset.done $0x0;
	(pc) =	sbr.rel @p0 .LBB2_1-.Ltmp1, $4  }
0x1b: {  	[sflag:s7] =	ssyncadd.s32 $0xFFFFFFC0  }
0x1c: {  	[hbm4b:s8+s2] =	stream.linear.scatter [tilespmem:s6], [sflag:$0x2], $0x40, $0x38;
	[tilespmem:$0x48] =	vst v63  }
0x1d: {  	_ =	swait.ge [sflag:s3], $0x40  }
0x1e: {  	[sflag:s3] =	ssyncset.done $0x0  }
.LBB2_2:
0x1f: {  	[sflag:s3] =	ssyncadd.s32 $0xFFFFFFC0  }
0x20: {  	_ =	sfence.sel $0x180000  }
0x21: {  	[bflag:$0x0] =	sbarrier.arrive $0xFFFF  }
0x22: {  	p0 =	sne.s32 s0, $0x0;
	_ =	strace $0x90000047  }
0x23: {  	s0 =	sadd.s32 @!p0 $0x100000, s1;
	[bflag:$0x2] =	sbarrier.arrive $0xFFFF  }
0x24: {  	[sflag:s0] =	ssyncadd.tile.s32 @!p0 $0x1;
	_ =	shalt  }
.Lfunc_end2:
_tile_overlayer_lowered:
.L_overlay_start_2:
0x25: {  	(tag) =	ssettag $0x2  }
0x26: {  	s0 =	rddreg [dreg:$0x0];
	s2 =	stileid.u32  }
0x27: {  	s1 =	rddreg [dreg:$0x1];
	p0 =	sne.s32 s2, $0x0  }
0x28: {  	s3 =	rddreg [dreg:$0x2];
	[bflag:$0x3] =	sbarrier.arrive $0xFFFF;
	s2 =	simm.s32 @!p0 $0x1C02  }
0x29: {  	[timem:s3], [sflag:s2] =	dma.local @!p0 [hbm:s0], s1  }
0x2a: {  	s0 =	simm.s32 @!p0 $0x2  }
0x2b: {  	_ =	swait.ge @!p0 [sflag:s0], s1  }
0x2c: {  	s1 =	ssub.s32 @!p0 $0x0, s1;
	[sflag:s0] =	ssyncset.done @!p0 $0x0  }
0x2d: {  	[sflag:s0] =	ssyncadd.s32 @!p0 s1  }
0x2e: {  	[bflag:$0x3] =	sbarrier.arrive $0xFFFF  }
0x2f: {  	_ =	shalt  }

</sc_bundles>
